<compile_context>
chip_gen: v7x
topology: tpu7x:2x2x1
jax: 0.10.2.dev20260603
libtpu: 0.0.44.dev20260713+nightly
codegen_flags: <defaults>
</compile_context>

<pallas_src>
import functools

import jax
import jax.numpy as jnp
from jax import lax
from jax.experimental import pallas as pl
from jax.experimental.pallas import tpu as pltpu
from jax.experimental.pallas import tpu_sc as plsc

_N_CORES = 2
_N_SUBCORES = 16
_N_WORKERS = _N_CORES * _N_SUBCORES
_LANES = 16
_IDX_W = 128


def kernel(A, D, l, i, concepts, guess_prob):
    n_students, n_concepts = A.shape

    chunk = -(-n_students // _N_WORKERS)
    chunk = -(-chunk // _IDX_W) * _IDX_W
    n_sub = chunk // _IDX_W
    batches = [2, 6, 7, 6, 3, 1]
    assert sum(batches) == n_sub

    rc = lax.dynamic_slice_in_dim(concepts, i, 1, axis=1)
    scal_f = jnp.concatenate([
        jnp.asarray(l, jnp.float32).reshape(1),
        jnp.asarray(guess_prob, jnp.float32).reshape(1),
        rc.reshape(2).astype(jnp.float32),
        jnp.zeros((_LANES - 4,), jnp.float32),
    ])

    A_flat = A.reshape(-1)

    mesh = plsc.VectorSubcoreMesh(
        core_axis_name="c", subcore_axis_name="s",
        num_cores=_N_CORES, num_subcores=_N_SUBCORES)

    @functools.partial(
        pl.kernel,
        out_type=jax.ShapeDtypeStruct((n_students,), jnp.float32),
        mesh=mesh,
        compiler_params=pltpu.CompilerParams(
            use_tc_tiling_on_sc=False, needs_layout_passes=False),
        scratch_types=[
            pltpu.VMEM((_LANES,), jnp.float32),
            pltpu.VMEM((n_concepts,), jnp.float32),
            pltpu.VMEM((chunk,), jnp.int32),
            pltpu.VMEM((chunk,), jnp.float32),
            pltpu.VMEM((chunk,), jnp.float32),
            pltpu.SemaphoreType.DMA,
            pltpu.SemaphoreType.DMA,
            pltpu.SemaphoreType.DMA,
            pltpu.SemaphoreType.DMA,
            pltpu.SemaphoreType.DMA,
            pltpu.SemaphoreType.DMA,
            pltpu.SemaphoreType.DMA,
            pltpu.SemaphoreType.DMA,
            pltpu.SemaphoreType.DMA,
        ],
    )
    def run(A_hbm, D_hbm, sf_hbm, out_hbm, sf_v, drow_v, idx_v, a_v, y_v,
            sem_s, sem_d, sg0, sg1, sg2, sg3, sg4, sg5, sem_w):
        sgs = [sg0, sg1, sg2, sg3, sg4, sg5]
        cid = lax.axis_index("c")
        sid = lax.axis_index("s")
        wid = sid * _N_CORES + cid
        base = jnp.minimum(wid * chunk, n_students - chunk)
        base = pl.multiple_of(base, _LANES)

        lane = lax.iota(jnp.int32, _LANES)
        ninf = jnp.float32(-jnp.inf)

        pltpu.async_copy(sf_hbm, sf_v, sem_s).wait()
        fv = sf_v[...]
        lam = jnp.full((_LANES,), jnp.max(jnp.where(lane == 0, fv, ninf)))
        gp = jnp.full((_LANES,), jnp.max(jnp.where(lane == 1, fv, ninf)))
        r = jnp.max(jnp.where(lane == 2, fv, ninf)).astype(jnp.int32)
        c = jnp.max(jnp.where(lane == 3, fv, ninf)).astype(jnp.int32)

        cp_d = pltpu.make_async_copy(D_hbm.at[r], drow_v, sem_d)
        cp_d.start()

        idx0 = (base + lane) * n_concepts + c
        copies = []
        row = 0
        for b, nr in enumerate(batches):
            n_el = nr * _IDX_W
            off = row * _IDX_W

            @plsc.parallel_loop(off // _LANES, (off + n_el) // _LANES,
                                unroll=8)
            def _build(g):
                j0 = g * _LANES
                idx_v[pl.ds(j0, _LANES)] = idx0 + j0 * n_concepts

            cp = pltpu.make_async_copy(
                A_hbm.at[idx_v.at[pl.ds(off, n_el)]],
                a_v.at[pl.ds(off, n_el)],
                sgs[b])
            cp.start()
            copies.append((b, cp))
            row += nr

        cp_d.wait()
        d = plsc.load_gather(drow_v, [jnp.full((_LANES,), c, jnp.int32)])
        one = jnp.full((_LANES,), jnp.float32(1.0))
        b_vec = lam * d

        row = 0
        for b, nr in enumerate(batches):
            for bb, cp in copies:
                if bb == b:
                    cp.wait()
            off = row * _IDX_W
            n_el = nr * _IDX_W

            @plsc.parallel_loop(off // _LANES, (off + n_el) // _LANES,
                                unroll=8)
            def _compute(g):
                j0 = g * _LANES
                a = a_v[pl.ds(j0, _LANES)]
                y = jnp.maximum(gp, one - jnp.exp(b_vec - lam * a))
                y_v[pl.ds(j0, _LANES)] = y
            pltpu.make_async_copy(
                y_v.at[pl.ds(off, nr * _IDX_W)],
                out_hbm.at[pl.ds(base + off, nr * _IDX_W)],
                sem_w,
            ).start()
            row += nr

        row = 0
        for nr in batches:
            pltpu.make_async_copy(
                y_v.at[pl.ds(row * _IDX_W, nr * _IDX_W)],
                out_hbm.at[pl.ds(base + row * _IDX_W, nr * _IDX_W)],
                sem_w,
            ).wait()
            row += nr

    return run(A_flat, D, scal_f)

# --- scband reference (transcript-rebuilt; emitter-appended) ---
"""Pipeline reference for scband-fe-78082505441615 (READ-ONLY COPY).

The authoritative reference and input builder live on the scoring server;
editing this copy changes nothing except your own understanding.
"""

import jax, jax.numpy as jnp
import numpy as np

N_STUDENTS = 100000
N_CONCEPTS = 128
N_ITEMS = 16384
N_QUESTIONS = 16384

def setup_inputs(seed: int = 0) -> dict:
    key = jax.random.key(seed)
    k1, k2, k3, k4 = jax.random.split(key, 4)
    A = jax.random.normal(k1, (N_STUDENTS, N_CONCEPTS), dtype=jnp.float32)
    D = jax.random.normal(k2, (N_ITEMS, N_CONCEPTS), dtype=jnp.float32)
    l = jax.random.uniform(k3, (), dtype=jnp.float32)
    concepts = jax.random.randint(k4, (2, N_QUESTIONS), 0, N_CONCEPTS, dtype=jnp.int32)
    i = 1000
    return {"A": A, "D": D, "l": l, "i": i, "concepts": concepts, "guess_prob": 0.25}

def reference(A, D, l, i, concepts, guess_prob=0.25):
    # floored exponential IRF: max(c, 1 - exp(-l * (ability - difficulty)))
    # concepts is a (2, Q) index structure: row 0 = item indices, row 1 = concept indices.
    a = A[:, concepts[1][i]]                      # gather one ability column -> [n_students]
    d = D[concepts[0], concepts[1]][i]            # gather per-question difficulty, pick question i (scalar)
    return jnp.maximum(jnp.asarray(guess_prob, dtype=jnp.float32), 1.0 - jnp.exp(-l * (a - d)))

if __name__ == "__main__":
    import jax
    _d = setup_inputs()
    print(jax.jit(kernel)(*tuple(_d.values())))

</pallas_src>

<mosaic_0001>
#map = affine_map<(d0, d1) -> (0)>
#map1 = affine_map<(d0, d1) -> (0, 0)>
module attributes {stable_mosaic.version = 14 : i64} {
  func.func @run(%arg0: i32, %arg1: i32, %arg2: memref<12800000xf32, #tpu.memory_space<hbm>>, %arg3: memref<16384x128xf32, #tpu.memory_space<hbm>>, %arg4: memref<16xf32, #tpu.memory_space<hbm>>, %arg5: memref<100000xf32, #tpu.memory_space<hbm>>, %arg6: memref<16xf32, #tpu.memory_space<vmem>>, %arg7: memref<128xf32, #tpu.memory_space<vmem>>, %arg8: memref<3200xi32, #tpu.memory_space<vmem>>, %arg9: memref<3200xf32, #tpu.memory_space<vmem>>, %arg10: memref<3200xf32, #tpu.memory_space<vmem>>, %arg11: memref<!tpu.dma_semaphore, #tpu.memory_space<semaphore_mem>>, %arg12: memref<!tpu.dma_semaphore, #tpu.memory_space<semaphore_mem>>, %arg13: memref<!tpu.dma_semaphore, #tpu.memory_space<semaphore_mem>>, %arg14: memref<!tpu.dma_semaphore, #tpu.memory_space<semaphore_mem>>, %arg15: memref<!tpu.dma_semaphore, #tpu.memory_space<semaphore_mem>>, %arg16: memref<!tpu.dma_semaphore, #tpu.memory_space<semaphore_mem>>, %arg17: memref<!tpu.dma_semaphore, #tpu.memory_space<semaphore_mem>>, %arg18: memref<!tpu.dma_semaphore, #tpu.memory_space<semaphore_mem>>, %arg19: memref<!tpu.dma_semaphore, #tpu.memory_space<semaphore_mem>>) attributes {dimension_semantics = [#tpu.dimension_semantics<core_parallel>, #tpu.dimension_semantics<subcore_parallel>], iteration_bounds = array<i64: 2, 16>, scalar_prefetch = 0 : i64, scratch_operands = 14 : i64, tpu.core_type = #tpu.core_type<sc_vector_subcore>, window_params = [{transform_indices = #map}, {transform_indices = #map1}, {transform_indices = #map}, {transform_indices = #map}]} {
    %mul3A = arith.constant 2 : i32
    %mul3A_0 = arith.muli %arg1, %mul3A : i32
    %add3A = arith.addi %mul3A_0, %arg0 : i32
    %mul3A_1 = arith.constant 3200 : i32
    %mul3A_2 = arith.muli %add3A, %mul3A_1 : i32
    %min3A = arith.constant 96800 : i32
    %min3A_3 = arith.minsi %mul3A_2, %min3A : i32
    %multiple_of3A = tpu.assume_multiple %min3A_3, 16 : i32
    %iota3A = tpu.iota {dimensions = array<i32: 0>} : vector<16xi32>
    tpu.enqueue_dma source(%arg4 : memref<16xf32, #tpu.memory_space<hbm>>) target(%arg6 : memref<16xf32, #tpu.memory_space<vmem>>) target_semaphore(%arg11 : memref<!tpu.dma_semaphore, #tpu.memory_space<semaphore_mem>>)
    tpu.wait_dma2 semaphore(%arg11 : memref<!tpu.dma_semaphore, #tpu.memory_space<semaphore_mem>>) src(%arg4 : memref<16xf32, #tpu.memory_space<hbm>>) dst(%arg6 : memref<16xf32, #tpu.memory_space<vmem>>)
    %get3A = arith.constant 0 : index
    %get3A_4 = tpu.vector_load %arg6[%get3A] {strides = array<i32>} : memref<16xf32, #tpu.memory_space<vmem>>, vector<16xf32>,
    %eq3A = arith.constant 0 : i32
    %eq3A_5 = vector.broadcast %eq3A : i32 to vector<16xi32>
    %eq3A_6 = arith.cmpi eq, %iota3A, %eq3A_5 : vector<16xi32>
    %jit3A = arith.constant 0xFF800000 : f32
    %broadcast_in_dim3A = vector.broadcast %jit3A : f32 to vector<16xf32>
    %select_n3A = arith.select %eq3A_6, %get3A_4, %broadcast_in_dim3A : vector<16xi1>, vector<16xf32>
    %reduce_max3A = arith.constant true
    %reduce_max3A_7 = vector.broadcast %reduce_max3A : i1 to vector<16xi1>
    %reduce_max3A_8 = tpu.scan <max>, %select_n3A masked %reduce_max3A_7 : vector<16xf32>, vector<16xi1> -> vector<16xf32>
    %reduce_max3A_9 = vector.extract %reduce_max3A_8[15] : f32 from vector<16xf32>
    %broadcast_in_dim3A_10 = vector.broadcast %reduce_max3A_9 : f32 to vector<16xf32>
    %eq3A_11 = arith.constant 1 : i32
    %eq3A_12 = vector.broadcast %eq3A_11 : i32 to vector<16xi32>
    %eq3A_13 = arith.cmpi eq, %iota3A, %eq3A_12 : vector<16xi32>
    %jit3A_14 = arith.constant 0xFF800000 : f32
    %broadcast_in_dim3A_15 = vector.broadcast %jit3A_14 : f32 to vector<16xf32>
    %select_n3A_16 = arith.select %eq3A_13, %get3A_4, %broadcast_in_dim3A_15 : vector<16xi1>, vector<16xf32>
    %reduce_max3A_17 = arith.constant true
    %reduce_max3A_18 = vector.broadcast %reduce_max3A_17 : i1 to vector<16xi1>
    %reduce_max3A_19 = tpu.scan <max>, %select_n3A_16 masked %reduce_max3A_18 : vector<16xf32>, vector<16xi1> -> vector<16xf32>
    %reduce_max3A_20 = vector.extract %reduce_max3A_19[15] : f32 from vector<16xf32>
    %broadcast_in_dim3A_21 = vector.broadcast %reduce_max3A_20 : f32 to vector<16xf32>
    %eq3A_22 = arith.constant 2 : i32
    %eq3A_23 = vector.broadcast %eq3A_22 : i32 to vector<16xi32>
    %eq3A_24 = arith.cmpi eq, %iota3A, %eq3A_23 : vector<16xi32>
    %jit3A_25 = arith.constant 0xFF800000 : f32
    %broadcast_in_dim3A_26 = vector.broadcast %jit3A_25 : f32 to vector<16xf32>
    %select_n3A_27 = arith.select %eq3A_24, %get3A_4, %broadcast_in_dim3A_26 : vector<16xi1>, vector<16xf32>
    %reduce_max3A_28 = arith.constant true
    %reduce_max3A_29 = vector.broadcast %reduce_max3A_28 : i1 to vector<16xi1>
    %reduce_max3A_30 = tpu.scan <max>, %select_n3A_27 masked %reduce_max3A_29 : vector<16xf32>, vector<16xi1> -> vector<16xf32>
    %reduce_max3A_31 = vector.extract %reduce_max3A_30[15] : f32 from vector<16xf32>
    %convert_element_type3A = arith.fptosi %reduce_max3A_31 : f32 to i32
    %eq3A_32 = arith.constant 3 : i32
    %eq3A_33 = vector.broadcast %eq3A_32 : i32 to vector<16xi32>
    %eq3A_34 = arith.cmpi eq, %iota3A, %eq3A_33 : vector<16xi32>
    %jit3A_35 = arith.constant 0xFF800000 : f32
    %broadcast_in_dim3A_36 = vector.broadcast %jit3A_35 : f32 to vector<16xf32>
    %select_n3A_37 = arith.select %eq3A_34, %get3A_4, %broadcast_in_dim3A_36 : vector<16xi1>, vector<16xf32>
    %reduce_max3A_38 = arith.constant true
    %reduce_max3A_39 = vector.broadcast %reduce_max3A_38 : i1 to vector<16xi1>
    %reduce_max3A_40 = tpu.scan <max>, %select_n3A_37 masked %reduce_max3A_39 : vector<16xf32>, vector<16xi1> -> vector<16xf32>
    %reduce_max3A_41 = vector.extract %reduce_max3A_40[15] : f32 from vector<16xf32>
    %convert_element_type3A_42 = arith.fptosi %reduce_max3A_41 : f32 to i32
    %dma_start3A = arith.constant 0 : i32
    %dma_start3A_43 = tpu.memref_slice %arg3[%convert_element_type3A, %dma_start3A] : memref<16384x128xf32, #tpu.memory_space<hbm>> -> memref<1x128xf32, #tpu.memory_space<hbm>>
    %dma_start3A_44 = tpu.memref_squeeze %dma_start3A_43 : memref<1x128xf32, #tpu.memory_space<hbm>> -> memref<128xf32, #tpu.memory_space<hbm>>
    %dma_start3A_45 = arith.constant 0 : i32
    %dma_start3A_46 = tpu.memref_slice %arg3[%convert_element_type3A, %dma_start3A_45] : memref<16384x128xf32, #tpu.memory_space<hbm>> -> memref<1x128xf32, #tpu.memory_space<hbm>>
    %dma_start3A_47 = tpu.memref_squeeze %dma_start3A_46 : memref<1x128xf32, #tpu.memory_space<hbm>> -> memref<128xf32, #tpu.memory_space<hbm>>
    tpu.enqueue_dma source(%dma_start3A_47 : memref<128xf32, #tpu.memory_space<hbm>>) target(%arg7 : memref<128xf32, #tpu.memory_space<vmem>>) target_semaphore(%arg12 : memref<!tpu.dma_semaphore, #tpu.memory_space<semaphore_mem>>)
    %add3A_48 = vector.broadcast %multiple_of3A : i32 to vector<16xi32>
    %add3A_49 = arith.addi %add3A_48, %iota3A : vector<16xi32>
    %mul3A_50 = arith.constant 128 : i32
    %mul3A_51 = vector.broadcast %mul3A_50 : i32 to vector<16xi32>
    %mul3A_52 = arith.muli %add3A_49, %mul3A_51 : vector<16xi32>
    %add3A_53 = vector.broadcast %convert_element_type3A_42 : i32 to vector<16xi32>
    %add3A_54 = arith.addi %mul3A_52, %add3A_53 : vector<16xi32>
    %parallel_loop3A = arith.constant 0 : i32
    %parallel_loop3A_55 = arith.constant 16 : i32
    %parallel_loop3A_56 = arith.constant 1 : i32
    scf.for %parallel_loop3A_267 = %parallel_loop3A to %parallel_loop3A_55 step %parallel_loop3A_56  : i32 {
      %parallel_loop3A_268 = arith.constant 16 : i32
      %parallel_loop3A_269 = arith.muli %parallel_loop3A_267, %parallel_loop3A_268 : i32
      %parallel_loop3A_270 = arith.constant 128 : i32
      %parallel_loop3A_271 = arith.muli %parallel_loop3A_269, %parallel_loop3A_270 : i32
      %parallel_loop3A_272 = vector.broadcast %parallel_loop3A_271 : i32 to vector<16xi32>
      %parallel_loop3A_273 = arith.addi %add3A_54, %parallel_loop3A_272 : vector<16xi32>
      %parallel_loop3A_274 = arith.index_cast %parallel_loop3A_269 : i32 to index
      %parallel_loop3A_275 = tpu.vector_load %arg8[%parallel_loop3A_274] {strides = array<i32>} : memref<3200xi32, #tpu.memory_space<vmem>>, vector<16xi32>,
      tpu.vector_store %arg8[%parallel_loop3A_274], %parallel_loop3A_273 {strides = array<i32>} : memref<3200xi32, #tpu.memory_space<vmem>>, vector<16xi32>,
    } {sc.loop_unroll_factor = 8 : i64, sc.parallel_access}
    %dma_start3A_57 = arith.constant 0 : i32
    %dma_start3A_58 = tpu.memref_slice %arg9[%dma_start3A_57] : memref<3200xf32, #tpu.memory_space<vmem>> -> memref<256xf32, #tpu.memory_space<vmem>>
    %dma_start3A_59 = arith.constant 0 : i32
    %dma_start3A_60 = tpu.memref_slice %arg8[%dma_start3A_59] : memref<3200xi32, #tpu.memory_space<vmem>> -> memref<256xi32, #tpu.memory_space<vmem>>
    %dma_start3A_61 = arith.constant 0 : i32
    %dma_start3A_62 = tpu.memref_slice %arg2[%dma_start3A_61] : memref<12800000xf32, #tpu.memory_space<hbm>> -> memref<12800000xf32, #tpu.memory_space<hbm>>
    tpu.enqueue_indirect_dma source(%dma_start3A_62 : memref<12800000xf32, #tpu.memory_space<hbm>>) target(%dma_start3A_58 : memref<256xf32, #tpu.memory_space<vmem>>) offsets(%dma_start3A_60 : memref<256xi32, #tpu.memory_space<vmem>>) semaphore(%arg13 : memref<!tpu.dma_semaphore, #tpu.memory_space<semaphore_mem>>)
    %parallel_loop3A_63 = arith.constant 16 : i32
    %parallel_loop3A_64 = arith.constant 64 : i32
    %parallel_loop3A_65 = arith.constant 1 : i32
    scf.for %parallel_loop3A_267 = %parallel_loop3A_63 to %parallel_loop3A_64 step %parallel_loop3A_65  : i32 {
      %parallel_loop3A_268 = arith.constant 16 : i32
      %parallel_loop3A_269 = arith.muli %parallel_loop3A_267, %parallel_loop3A_268 : i32
      %parallel_loop3A_270 = arith.constant 128 : i32
      %parallel_loop3A_271 = arith.muli %parallel_loop3A_269, %parallel_loop3A_270 : i32
      %parallel_loop3A_272 = vector.broadcast %parallel_loop3A_271 : i32 to vector<16xi32>
      %parallel_loop3A_273 = arith.addi %add3A_54, %parallel_loop3A_272 : vector<16xi32>
      %parallel_loop3A_274 = arith.index_cast %parallel_loop3A_269 : i32 to index
      %parallel_loop3A_275 = tpu.vector_load %arg8[%parallel_loop3A_274] {strides = array<i32>} : memref<3200xi32, #tpu.memory_space<vmem>>, vector<16xi32>,
      tpu.vector_store %arg8[%parallel_loop3A_274], %parallel_loop3A_273 {strides = array<i32>} : memref<3200xi32, #tpu.memory_space<vmem>>, vector<16xi32>,
    } {sc.loop_unroll_factor = 8 : i64, sc.parallel_access}
    %dma_start3A_66 = arith.constant 256 : i32
    %dma_start3A_67 = tpu.memref_slice %arg9[%dma_start3A_66] : memref<3200xf32, #tpu.memory_space<vmem>> -> memref<768xf32, #tpu.memory_space<vmem>>
    %dma_start3A_68 = arith.constant 256 : i32
    %dma_start3A_69 = tpu.memref_slice %arg8[%dma_start3A_68] : memref<3200xi32, #tpu.memory_space<vmem>> -> memref<768xi32, #tpu.memory_space<vmem>>
    %dma_start3A_70 = arith.constant 0 : i32
    %dma_start3A_71 = tpu.memref_slice %arg2[%dma_start3A_70] : memref<12800000xf32, #tpu.memory_space<hbm>> -> memref<12800000xf32, #tpu.memory_space<hbm>>
    tpu.enqueue_indirect_dma source(%dma_start3A_71 : memref<12800000xf32, #tpu.memory_space<hbm>>) target(%dma_start3A_67 : memref<768xf32, #tpu.memory_space<vmem>>) offsets(%dma_start3A_69 : memref<768xi32, #tpu.memory_space<vmem>>) semaphore(%arg14 : memref<!tpu.dma_semaphore, #tpu.memory_space<semaphore_mem>>)
    %parallel_loop3A_72 = arith.constant 64 : i32
    %parallel_loop3A_73 = arith.constant 120 : i32
    %parallel_loop3A_74 = arith.constant 1 : i32
    scf.for %parallel_loop3A_267 = %parallel_loop3A_72 to %parallel_loop3A_73 step %parallel_loop3A_74  : i32 {
      %parallel_loop3A_268 = arith.constant 16 : i32
      %parallel_loop3A_269 = arith.muli %parallel_loop3A_267, %parallel_loop3A_268 : i32
      %parallel_loop3A_270 = arith.constant 128 : i32
      %parallel_loop3A_271 = arith.muli %parallel_loop3A_269, %parallel_loop3A_270 : i32
      %parallel_loop3A_272 = vector.broadcast %parallel_loop3A_271 : i32 to vector<16xi32>
      %parallel_loop3A_273 = arith.addi %add3A_54, %parallel_loop3A_272 : vector<16xi32>
      %parallel_loop3A_274 = arith.index_cast %parallel_loop3A_269 : i32 to index
      %parallel_loop3A_275 = tpu.vector_load %arg8[%parallel_loop3A_274] {strides = array<i32>} : memref<3200xi32, #tpu.memory_space<vmem>>, vector<16xi32>,
      tpu.vector_store %arg8[%parallel_loop3A_274], %parallel_loop3A_273 {strides = array<i32>} : memref<3200xi32, #tpu.memory_space<vmem>>, vector<16xi32>,
    } {sc.loop_unroll_factor = 8 : i64, sc.parallel_access}
    %dma_start3A_75 = arith.constant 1024 : i32
    %dma_start3A_76 = tpu.memref_slice %arg9[%dma_start3A_75] : memref<3200xf32, #tpu.memory_space<vmem>> -> memref<896xf32, #tpu.memory_space<vmem>>
    %dma_start3A_77 = arith.constant 1024 : i32
    %dma_start3A_78 = tpu.memref_slice %arg8[%dma_start3A_77] : memref<3200xi32, #tpu.memory_space<vmem>> -> memref<896xi32, #tpu.memory_space<vmem>>
    %dma_start3A_79 = arith.constant 0 : i32
    %dma_start3A_80 = tpu.memref_slice %arg2[%dma_start3A_79] : memref<12800000xf32, #tpu.memory_space<hbm>> -> memref<12800000xf32, #tpu.memory_space<hbm>>
    tpu.enqueue_indirect_dma source(%dma_start3A_80 : memref<12800000xf32, #tpu.memory_space<hbm>>) target(%dma_start3A_76 : memref<896xf32, #tpu.memory_space<vmem>>) offsets(%dma_start3A_78 : memref<896xi32, #tpu.memory_space<vmem>>) semaphore(%arg15 : memref<!tpu.dma_semaphore, #tpu.memory_space<semaphore_mem>>)
    %parallel_loop3A_81 = arith.constant 120 : i32
    %parallel_loop3A_82 = arith.constant 168 : i32
    %parallel_loop3A_83 = arith.constant 1 : i32
    scf.for %parallel_loop3A_267 = %parallel_loop3A_81 to %parallel_loop3A_82 step %parallel_loop3A_83  : i32 {
      %parallel_loop3A_268 = arith.constant 16 : i32
      %parallel_loop3A_269 = arith.muli %parallel_loop3A_267, %parallel_loop3A_268 : i32
      %parallel_loop3A_270 = arith.constant 128 : i32
      %parallel_loop3A_271 = arith.muli %parallel_loop3A_269, %parallel_loop3A_270 : i32
      %parallel_loop3A_272 = vector.broadcast %parallel_loop3A_271 : i32 to vector<16xi32>
      %parallel_loop3A_273 = arith.addi %add3A_54, %parallel_loop3A_272 : vector<16xi32>
      %parallel_loop3A_274 = arith.index_cast %parallel_loop3A_269 : i32 to index
      %parallel_loop3A_275 = tpu.vector_load %arg8[%parallel_loop3A_274] {strides = array<i32>} : memref<3200xi32, #tpu.memory_space<vmem>>, vector<16xi32>,
      tpu.vector_store %arg8[%parallel_loop3A_274], %parallel_loop3A_273 {strides = array<i32>} : memref<3200xi32, #tpu.memory_space<vmem>>, vector<16xi32>,
    } {sc.loop_unroll_factor = 8 : i64, sc.parallel_access}
    %dma_start3A_84 = arith.constant 1920 : i32
    %dma_start3A_85 = tpu.memref_slice %arg9[%dma_start3A_84] : memref<3200xf32, #tpu.memory_space<vmem>> -> memref<768xf32, #tpu.memory_space<vmem>>
    %dma_start3A_86 = arith.constant 1920 : i32
    %dma_start3A_87 = tpu.memref_slice %arg8[%dma_start3A_86] : memref<3200xi32, #tpu.memory_space<vmem>> -> memref<768xi32, #tpu.memory_space<vmem>>
    %dma_start3A_88 = arith.constant 0 : i32
    %dma_start3A_89 = tpu.memref_slice %arg2[%dma_start3A_88] : memref<12800000xf32, #tpu.memory_space<hbm>> -> memref<12800000xf32, #tpu.memory_space<hbm>>
    tpu.enqueue_indirect_dma source(%dma_start3A_89 : memref<12800000xf32, #tpu.memory_space<hbm>>) target(%dma_start3A_85 : memref<768xf32, #tpu.memory_space<vmem>>) offsets(%dma_start3A_87 : memref<768xi32, #tpu.memory_space<vmem>>) semaphore(%arg16 : memref<!tpu.dma_semaphore, #tpu.memory_space<semaphore_mem>>)
    %parallel_loop3A_90 = arith.constant 168 : i32
    %parallel_loop3A_91 = arith.constant 192 : i32
    %parallel_loop3A_92 = arith.constant 1 : i32
    scf.for %parallel_loop3A_267 = %parallel_loop3A_90 to %parallel_loop3A_91 step %parallel_loop3A_92  : i32 {
      %parallel_loop3A_268 = arith.constant 16 : i32
      %parallel_loop3A_269 = arith.muli %parallel_loop3A_267, %parallel_loop3A_268 : i32
      %parallel_loop3A_270 = arith.constant 128 : i32
      %parallel_loop3A_271 = arith.muli %parallel_loop3A_269, %parallel_loop3A_270 : i32
      %parallel_loop3A_272 = vector.broadcast %parallel_loop3A_271 : i32 to vector<16xi32>
      %parallel_loop3A_273 = arith.addi %add3A_54, %parallel_loop3A_272 : vector<16xi32>
      %parallel_loop3A_274 = arith.index_cast %parallel_loop3A_269 : i32 to index
      %parallel_loop3A_275 = tpu.vector_load %arg8[%parallel_loop3A_274] {strides = array<i32>} : memref<3200xi32, #tpu.memory_space<vmem>>, vector<16xi32>,
      tpu.vector_store %arg8[%parallel_loop3A_274], %parallel_loop3A_273 {strides = array<i32>} : memref<3200xi32, #tpu.memory_space<vmem>>, vector<16xi32>,
    } {sc.loop_unroll_factor = 8 : i64, sc.parallel_access}
    %dma_start3A_93 = arith.constant 2688 : i32
    %dma_start3A_94 = tpu.memref_slice %arg9[%dma_start3A_93] : memref<3200xf32, #tpu.memory_space<vmem>> -> memref<384xf32, #tpu.memory_space<vmem>>
    %dma_start3A_95 = arith.constant 2688 : i32
    %dma_start3A_96 = tpu.memref_slice %arg8[%dma_start3A_95] : memref<3200xi32, #tpu.memory_space<vmem>> -> memref<384xi32, #tpu.memory_space<vmem>>
    %dma_start3A_97 = arith.constant 0 : i32
    %dma_start3A_98 = tpu.memref_slice %arg2[%dma_start3A_97] : memref<12800000xf32, #tpu.memory_space<hbm>> -> memref<12800000xf32, #tpu.memory_space<hbm>>
    tpu.enqueue_indirect_dma source(%dma_start3A_98 : memref<12800000xf32, #tpu.memory_space<hbm>>) target(%dma_start3A_94 : memref<384xf32, #tpu.memory_space<vmem>>) offsets(%dma_start3A_96 : memref<384xi32, #tpu.memory_space<vmem>>) semaphore(%arg17 : memref<!tpu.dma_semaphore, #tpu.memory_space<semaphore_mem>>)
    %parallel_loop3A_99 = arith.constant 192 : i32
    %parallel_loop3A_100 = arith.constant 200 : i32
    %parallel_loop3A_101 = arith.constant 1 : i32
    scf.for %parallel_loop3A_267 = %parallel_loop3A_99 to %parallel_loop3A_100 step %parallel_loop3A_101  : i32 {
      %parallel_loop3A_268 = arith.constant 16 : i32
      %parallel_loop3A_269 = arith.muli %parallel_loop3A_267, %parallel_loop3A_268 : i32
      %parallel_loop3A_270 = arith.constant 128 : i32
      %parallel_loop3A_271 = arith.muli %parallel_loop3A_269, %parallel_loop3A_270 : i32
      %parallel_loop3A_272 = vector.broadcast %parallel_loop3A_271 : i32 to vector<16xi32>
      %parallel_loop3A_273 = arith.addi %add3A_54, %parallel_loop3A_272 : vector<16xi32>
      %parallel_loop3A_274 = arith.index_cast %parallel_loop3A_269 : i32 to index
      %parallel_loop3A_275 = tpu.vector_load %arg8[%parallel_loop3A_274] {strides = array<i32>} : memref<3200xi32, #tpu.memory_space<vmem>>, vector<16xi32>,
      tpu.vector_store %arg8[%parallel_loop3A_274], %parallel_loop3A_273 {strides = array<i32>} : memref<3200xi32, #tpu.memory_space<vmem>>, vector<16xi32>,
    } {sc.loop_unroll_factor = 8 : i64, sc.parallel_access}
    %dma_start3A_102 = arith.constant 3072 : i32
    %dma_start3A_103 = tpu.memref_slice %arg9[%dma_start3A_102] : memref<3200xf32, #tpu.memory_space<vmem>> -> memref<128xf32, #tpu.memory_space<vmem>>
    %dma_start3A_104 = arith.constant 3072 : i32
    %dma_start3A_105 = tpu.memref_slice %arg8[%dma_start3A_104] : memref<3200xi32, #tpu.memory_space<vmem>> -> memref<128xi32, #tpu.memory_space<vmem>>
    %dma_start3A_106 = arith.constant 0 : i32
    %dma_start3A_107 = tpu.memref_slice %arg2[%dma_start3A_106] : memref<12800000xf32, #tpu.memory_space<hbm>> -> memref<12800000xf32, #tpu.memory_space<hbm>>
    tpu.enqueue_indirect_dma source(%dma_start3A_107 : memref<12800000xf32, #tpu.memory_space<hbm>>) target(%dma_start3A_103 : memref<128xf32, #tpu.memory_space<vmem>>) offsets(%dma_start3A_105 : memref<128xi32, #tpu.memory_space<vmem>>) semaphore(%arg18 : memref<!tpu.dma_semaphore, #tpu.memory_space<semaphore_mem>>)
    %dma_wait3A = arith.constant 0 : i32
    %dma_wait3A_108 = tpu.memref_slice %arg3[%convert_element_type3A, %dma_wait3A] : memref<16384x128xf32, #tpu.memory_space<hbm>> -> memref<1x128xf32, #tpu.memory_space<hbm>>
    %dma_wait3A_109 = tpu.memref_squeeze %dma_wait3A_108 : memref<1x128xf32, #tpu.memory_space<hbm>> -> memref<128xf32, #tpu.memory_space<hbm>>
    %dma_wait3A_110 = arith.constant 0 : i32
    %dma_wait3A_111 = tpu.memref_slice %arg3[%convert_element_type3A, %dma_wait3A_110] : memref<16384x128xf32, #tpu.memory_space<hbm>> -> memref<1x128xf32, #tpu.memory_space<hbm>>
    %dma_wait3A_112 = tpu.memref_squeeze %dma_wait3A_111 : memref<1x128xf32, #tpu.memory_space<hbm>> -> memref<128xf32, #tpu.memory_space<hbm>>
    tpu.wait_dma2 semaphore(%arg12 : memref<!tpu.dma_semaphore, #tpu.memory_space<semaphore_mem>>) src(%dma_wait3A_112 : memref<128xf32, #tpu.memory_space<hbm>>) dst(%arg7 : memref<128xf32, #tpu.memory_space<vmem>>)
    %broadcast_in_dim3A_113 = vector.broadcast %convert_element_type3A_42 : i32 to vector<16xi32>
    %gather3A = tpu.vector_load_idx %arg7[%broadcast_in_dim3A_113] : memref<128xf32, #tpu.memory_space<vmem>>[vector<16xi32>], vector<16xf32>,
    %broadcast_in_dim3A_114 = arith.constant 1.000000e+00 : f32
    %broadcast_in_dim3A_115 = vector.broadcast %broadcast_in_dim3A_114 : f32 to vector<16xf32>
    %mul3A_116 = arith.mulf %broadcast_in_dim3A_10, %gather3A : vector<16xf32>
    %dma_wait3A_117 = arith.constant 0 : i32
    %dma_wait3A_118 = tpu.memref_slice %arg9[%dma_wait3A_117] : memref<3200xf32, #tpu.memory_space<vmem>> -> memref<256xf32, #tpu.memory_space<vmem>>
    %dma_wait3A_119 = arith.constant 0 : i32
    %dma_wait3A_120 = tpu.memref_slice %arg8[%dma_wait3A_119] : memref<3200xi32, #tpu.memory_space<vmem>> -> memref<256xi32, #tpu.memory_space<vmem>>
    %dma_wait3A_121 = arith.constant 0 : i32
    %dma_wait3A_122 = tpu.memref_slice %arg2[%dma_wait3A_121] : memref<12800000xf32, #tpu.memory_space<hbm>> -> memref<12800000xf32, #tpu.memory_space<hbm>>
    tpu.wait_indirect_dma semaphore(%arg13 : memref<!tpu.dma_semaphore, #tpu.memory_space<semaphore_mem>>) src(%dma_wait3A_122 : memref<12800000xf32, #tpu.memory_space<hbm>>) dst(%dma_wait3A_118 : memref<256xf32, #tpu.memory_space<vmem>>)
    %parallel_loop3A_123 = arith.constant 0 : i32
    %parallel_loop3A_124 = arith.constant 16 : i32
    %parallel_loop3A_125 = arith.constant 1 : i32
    scf.for %parallel_loop3A_267 = %parallel_loop3A_123 to %parallel_loop3A_124 step %parallel_loop3A_125  : i32 {
      %parallel_loop3A_268 = arith.constant 16 : i32
      %parallel_loop3A_269 = arith.muli %parallel_loop3A_267, %parallel_loop3A_268 : i32
      %parallel_loop3A_270 = arith.index_cast %parallel_loop3A_269 : i32 to index
      %parallel_loop3A_271 = tpu.vector_load %arg9[%parallel_loop3A_270] {strides = array<i32>} : memref<3200xf32, #tpu.memory_space<vmem>>, vector<16xf32>,
      %parallel_loop3A_272 = arith.mulf %broadcast_in_dim3A_10, %parallel_loop3A_271 : vector<16xf32>
      %parallel_loop3A_273 = arith.subf %mul3A_116, %parallel_loop3A_272 : vector<16xf32>
      %parallel_loop3A_274 = math.exp %parallel_loop3A_273 : vector<16xf32>
      %parallel_loop3A_275 = arith.subf %broadcast_in_dim3A_115, %parallel_loop3A_274 : vector<16xf32>
      %parallel_loop3A_276 = arith.maximumf %broadcast_in_dim3A_21, %parallel_loop3A_275 : vector<16xf32>
      %parallel_loop3A_277 = arith.index_cast %parallel_loop3A_269 : i32 to index
      %parallel_loop3A_278 = tpu.vector_load %arg10[%parallel_loop3A_277] {strides = array<i32>} : memref<3200xf32, #tpu.memory_space<vmem>>, vector<16xf32>,
      tpu.vector_store %arg10[%parallel_loop3A_277], %parallel_loop3A_276 {strides = array<i32>} : memref<3200xf32, #tpu.memory_space<vmem>>, vector<16xf32>,
    } {sc.loop_unroll_factor = 8 : i64, sc.parallel_access}
    %add3A_126 = arith.constant 0 : i32
    %add3A_127 = arith.addi %multiple_of3A, %add3A_126 : i32
    %dma_start3A_128 = arith.constant 0 : i32
    %dma_start3A_129 = tpu.memref_slice %arg10[%dma_start3A_128] : memref<3200xf32, #tpu.memory_space<vmem>> -> memref<256xf32, #tpu.memory_space<vmem>>
    %dma_start3A_130 = tpu.memref_slice %arg5[%add3A_127] : memref<100000xf32, #tpu.memory_space<hbm>> -> memref<256xf32, #tpu.memory_space<hbm>>
    %dma_start3A_131 = tpu.memref_slice %arg5[%add3A_127] : memref<100000xf32, #tpu.memory_space<hbm>> -> memref<256xf32, #tpu.memory_space<hbm>>
    %dma_start3A_132 = arith.constant 0 : i32
    %dma_start3A_133 = tpu.memref_slice %arg10[%dma_start3A_132] : memref<3200xf32, #tpu.memory_space<vmem>> -> memref<256xf32, #tpu.memory_space<vmem>>
    tpu.enqueue_dma source(%dma_start3A_133 : memref<256xf32, #tpu.memory_space<vmem>>) target(%dma_start3A_131 : memref<256xf32, #tpu.memory_space<hbm>>) target_semaphore(%arg19 : memref<!tpu.dma_semaphore, #tpu.memory_space<semaphore_mem>>)
    %dma_wait3A_134 = arith.constant 256 : i32
    %dma_wait3A_135 = tpu.memref_slice %arg9[%dma_wait3A_134] : memref<3200xf32, #tpu.memory_space<vmem>> -> memref<768xf32, #tpu.memory_space<vmem>>
    %dma_wait3A_136 = arith.constant 256 : i32
    %dma_wait3A_137 = tpu.memref_slice %arg8[%dma_wait3A_136] : memref<3200xi32, #tpu.memory_space<vmem>> -> memref<768xi32, #tpu.memory_space<vmem>>
    %dma_wait3A_138 = arith.constant 0 : i32
    %dma_wait3A_139 = tpu.memref_slice %arg2[%dma_wait3A_138] : memref<12800000xf32, #tpu.memory_space<hbm>> -> memref<12800000xf32, #tpu.memory_space<hbm>>
    tpu.wait_indirect_dma semaphore(%arg14 : memref<!tpu.dma_semaphore, #tpu.memory_space<semaphore_mem>>) src(%dma_wait3A_139 : memref<12800000xf32, #tpu.memory_space<hbm>>) dst(%dma_wait3A_135 : memref<768xf32, #tpu.memory_space<vmem>>)
    %parallel_loop3A_140 = arith.constant 16 : i32
    %parallel_loop3A_141 = arith.constant 64 : i32
    %parallel_loop3A_142 = arith.constant 1 : i32
    scf.for %parallel_loop3A_267 = %parallel_loop3A_140 to %parallel_loop3A_141 step %parallel_loop3A_142  : i32 {
      %parallel_loop3A_268 = arith.constant 16 : i32
      %parallel_loop3A_269 = arith.muli %parallel_loop3A_267, %parallel_loop3A_268 : i32
      %parallel_loop3A_270 = arith.index_cast %parallel_loop3A_269 : i32 to index
      %parallel_loop3A_271 = tpu.vector_load %arg9[%parallel_loop3A_270] {strides = array<i32>} : memref<3200xf32, #tpu.memory_space<vmem>>, vector<16xf32>,
      %parallel_loop3A_272 = arith.mulf %broadcast_in_dim3A_10, %parallel_loop3A_271 : vector<16xf32>
      %parallel_loop3A_273 = arith.subf %mul3A_116, %parallel_loop3A_272 : vector<16xf32>
      %parallel_loop3A_274 = math.exp %parallel_loop3A_273 : vector<16xf32>
      %parallel_loop3A_275 = arith.subf %broadcast_in_dim3A_115, %parallel_loop3A_274 : vector<16xf32>
      %parallel_loop3A_276 = arith.maximumf %broadcast_in_dim3A_21, %parallel_loop3A_275 : vector<16xf32>
      %parallel_loop3A_277 = arith.index_cast %parallel_loop3A_269 : i32 to index
      %parallel_loop3A_278 = tpu.vector_load %arg10[%parallel_loop3A_277] {strides = array<i32>} : memref<3200xf32, #tpu.memory_space<vmem>>, vector<16xf32>,
      tpu.vector_store %arg10[%parallel_loop3A_277], %parallel_loop3A_276 {strides = array<i32>} : memref<3200xf32, #tpu.memory_space<vmem>>, vector<16xf32>,
    } {sc.loop_unroll_factor = 8 : i64, sc.parallel_access}
    %add3A_143 = arith.constant 256 : i32
    %add3A_144 = arith.addi %multiple_of3A, %add3A_143 : i32
    %dma_start3A_145 = arith.constant 256 : i32
    %dma_start3A_146 = tpu.memref_slice %arg10[%dma_start3A_145] : memref<3200xf32, #tpu.memory_space<vmem>> -> memref<768xf32, #tpu.memory_space<vmem>>
    %dma_start3A_147 = tpu.memref_slice %arg5[%add3A_144] : memref<100000xf32, #tpu.memory_space<hbm>> -> memref<768xf32, #tpu.memory_space<hbm>>
    %dma_start3A_148 = tpu.memref_slice %arg5[%add3A_144] : memref<100000xf32, #tpu.memory_space<hbm>> -> memref<768xf32, #tpu.memory_space<hbm>>
    %dma_start3A_149 = arith.constant 256 : i32
    %dma_start3A_150 = tpu.memref_slice %arg10[%dma_start3A_149] : memref<3200xf32, #tpu.memory_space<vmem>> -> memref<768xf32, #tpu.memory_space<vmem>>
    tpu.enqueue_dma source(%dma_start3A_150 : memref<768xf32, #tpu.memory_space<vmem>>) target(%dma_start3A_148 : memref<768xf32, #tpu.memory_space<hbm>>) target_semaphore(%arg19 : memref<!tpu.dma_semaphore, #tpu.memory_space<semaphore_mem>>)
    %dma_wait3A_151 = arith.constant 1024 : i32
    %dma_wait3A_152 = tpu.memref_slice %arg9[%dma_wait3A_151] : memref<3200xf32, #tpu.memory_space<vmem>> -> memref<896xf32, #tpu.memory_space<vmem>>
    %dma_wait3A_153 = arith.constant 1024 : i32
    %dma_wait3A_154 = tpu.memref_slice %arg8[%dma_wait3A_153] : memref<3200xi32, #tpu.memory_space<vmem>> -> memref<896xi32, #tpu.memory_space<vmem>>
    %dma_wait3A_155 = arith.constant 0 : i32
    %dma_wait3A_156 = tpu.memref_slice %arg2[%dma_wait3A_155] : memref<12800000xf32, #tpu.memory_space<hbm>> -> memref<12800000xf32, #tpu.memory_space<hbm>>
    tpu.wait_indirect_dma semaphore(%arg15 : memref<!tpu.dma_semaphore, #tpu.memory_space<semaphore_mem>>) src(%dma_wait3A_156 : memref<12800000xf32, #tpu.memory_space<hbm>>) dst(%dma_wait3A_152 : memref<896xf32, #tpu.memory_space<vmem>>)
    %parallel_loop3A_157 = arith.constant 64 : i32
    %parallel_loop3A_158 = arith.constant 120 : i32
    %parallel_loop3A_159 = arith.constant 1 : i32
    scf.for %parallel_loop3A_267 = %parallel_loop3A_157 to %parallel_loop3A_158 step %parallel_loop3A_159  : i32 {
      %parallel_loop3A_268 = arith.constant 16 : i32
      %parallel_loop3A_269 = arith.muli %parallel_loop3A_267, %parallel_loop3A_268 : i32
      %parallel_loop3A_270 = arith.index_cast %parallel_loop3A_269 : i32 to index
      %parallel_loop3A_271 = tpu.vector_load %arg9[%parallel_loop3A_270] {strides = array<i32>} : memref<3200xf32, #tpu.memory_space<vmem>>, vector<16xf32>,
      %parallel_loop3A_272 = arith.mulf %broadcast_in_dim3A_10, %parallel_loop3A_271 : vector<16xf32>
      %parallel_loop3A_273 = arith.subf %mul3A_116, %parallel_loop3A_272 : vector<16xf32>
      %parallel_loop3A_274 = math.exp %parallel_loop3A_273 : vector<16xf32>
      %parallel_loop3A_275 = arith.subf %broadcast_in_dim3A_115, %parallel_loop3A_274 : vector<16xf32>
      %parallel_loop3A_276 = arith.maximumf %broadcast_in_dim3A_21, %parallel_loop3A_275 : vector<16xf32>
      %parallel_loop3A_277 = arith.index_cast %parallel_loop3A_269 : i32 to index
      %parallel_loop3A_278 = tpu.vector_load %arg10[%parallel_loop3A_277] {strides = array<i32>} : memref<3200xf32, #tpu.memory_space<vmem>>, vector<16xf32>,
      tpu.vector_store %arg10[%parallel_loop3A_277], %parallel_loop3A_276 {strides = array<i32>} : memref<3200xf32, #tpu.memory_space<vmem>>, vector<16xf32>,
    } {sc.loop_unroll_factor = 8 : i64, sc.parallel_access}
    %add3A_160 = arith.constant 1024 : i32
    %add3A_161 = arith.addi %multiple_of3A, %add3A_160 : i32
    %dma_start3A_162 = arith.constant 1024 : i32
    %dma_start3A_163 = tpu.memref_slice %arg10[%dma_start3A_162] : memref<3200xf32, #tpu.memory_space<vmem>> -> memref<896xf32, #tpu.memory_space<vmem>>
    %dma_start3A_164 = tpu.memref_slice %arg5[%add3A_161] : memref<100000xf32, #tpu.memory_space<hbm>> -> memref<896xf32, #tpu.memory_space<hbm>>
    %dma_start3A_165 = tpu.memref_slice %arg5[%add3A_161] : memref<100000xf32, #tpu.memory_space<hbm>> -> memref<896xf32, #tpu.memory_space<hbm>>
    %dma_start3A_166 = arith.constant 1024 : i32
    %dma_start3A_167 = tpu.memref_slice %arg10[%dma_start3A_166] : memref<3200xf32, #tpu.memory_space<vmem>> -> memref<896xf32, #tpu.memory_space<vmem>>
    tpu.enqueue_dma source(%dma_start3A_167 : memref<896xf32, #tpu.memory_space<vmem>>) target(%dma_start3A_165 : memref<896xf32, #tpu.memory_space<hbm>>) target_semaphore(%arg19 : memref<!tpu.dma_semaphore, #tpu.memory_space<semaphore_mem>>)
    %dma_wait3A_168 = arith.constant 1920 : i32
    %dma_wait3A_169 = tpu.memref_slice %arg9[%dma_wait3A_168] : memref<3200xf32, #tpu.memory_space<vmem>> -> memref<768xf32, #tpu.memory_space<vmem>>
    %dma_wait3A_170 = arith.constant 1920 : i32
    %dma_wait3A_171 = tpu.memref_slice %arg8[%dma_wait3A_170] : memref<3200xi32, #tpu.memory_space<vmem>> -> memref<768xi32, #tpu.memory_space<vmem>>
    %dma_wait3A_172 = arith.constant 0 : i32
    %dma_wait3A_173 = tpu.memref_slice %arg2[%dma_wait3A_172] : memref<12800000xf32, #tpu.memory_space<hbm>> -> memref<12800000xf32, #tpu.memory_space<hbm>>
    tpu.wait_indirect_dma semaphore(%arg16 : memref<!tpu.dma_semaphore, #tpu.memory_space<semaphore_mem>>) src(%dma_wait3A_173 : memref<12800000xf32, #tpu.memory_space<hbm>>) dst(%dma_wait3A_169 : memref<768xf32, #tpu.memory_space<vmem>>)
    %parallel_loop3A_174 = arith.constant 120 : i32
    %parallel_loop3A_175 = arith.constant 168 : i32
    %parallel_loop3A_176 = arith.constant 1 : i32
    scf.for %parallel_loop3A_267 = %parallel_loop3A_174 to %parallel_loop3A_175 step %parallel_loop3A_176  : i32 {
      %parallel_loop3A_268 = arith.constant 16 : i32
      %parallel_loop3A_269 = arith.muli %parallel_loop3A_267, %parallel_loop3A_268 : i32
      %parallel_loop3A_270 = arith.index_cast %parallel_loop3A_269 : i32 to index
      %parallel_loop3A_271 = tpu.vector_load %arg9[%parallel_loop3A_270] {strides = array<i32>} : memref<3200xf32, #tpu.memory_space<vmem>>, vector<16xf32>,
      %parallel_loop3A_272 = arith.mulf %broadcast_in_dim3A_10, %parallel_loop3A_271 : vector<16xf32>
      %parallel_loop3A_273 = arith.subf %mul3A_116, %parallel_loop3A_272 : vector<16xf32>
      %parallel_loop3A_274 = math.exp %parallel_loop3A_273 : vector<16xf32>
      %parallel_loop3A_275 = arith.subf %broadcast_in_dim3A_115, %parallel_loop3A_274 : vector<16xf32>
      %parallel_loop3A_276 = arith.maximumf %broadcast_in_dim3A_21, %parallel_loop3A_275 : vector<16xf32>
      %parallel_loop3A_277 = arith.index_cast %parallel_loop3A_269 : i32 to index
      %parallel_loop3A_278 = tpu.vector_load %arg10[%parallel_loop3A_277] {strides = array<i32>} : memref<3200xf32, #tpu.memory_space<vmem>>, vector<16xf32>,
      tpu.vector_store %arg10[%parallel_loop3A_277], %parallel_loop3A_276 {strides = array<i32>} : memref<3200xf32, #tpu.memory_space<vmem>>, vector<16xf32>,
    } {sc.loop_unroll_factor = 8 : i64, sc.parallel_access}
    %add3A_177 = arith.constant 1920 : i32
    %add3A_178 = arith.addi %multiple_of3A, %add3A_177 : i32
    %dma_start3A_179 = arith.constant 1920 : i32
    %dma_start3A_180 = tpu.memref_slice %arg10[%dma_start3A_179] : memref<3200xf32, #tpu.memory_space<vmem>> -> memref<768xf32, #tpu.memory_space<vmem>>
    %dma_start3A_181 = tpu.memref_slice %arg5[%add3A_178] : memref<100000xf32, #tpu.memory_space<hbm>> -> memref<768xf32, #tpu.memory_space<hbm>>
    %dma_start3A_182 = tpu.memref_slice %arg5[%add3A_178] : memref<100000xf32, #tpu.memory_space<hbm>> -> memref<768xf32, #tpu.memory_space<hbm>>
    %dma_start3A_183 = arith.constant 1920 : i32
    %dma_start3A_184 = tpu.memref_slice %arg10[%dma_start3A_183] : memref<3200xf32, #tpu.memory_space<vmem>> -> memref<768xf32, #tpu.memory_space<vmem>>
    tpu.enqueue_dma source(%dma_start3A_184 : memref<768xf32, #tpu.memory_space<vmem>>) target(%dma_start3A_182 : memref<768xf32, #tpu.memory_space<hbm>>) target_semaphore(%arg19 : memref<!tpu.dma_semaphore, #tpu.memory_space<semaphore_mem>>)
    %dma_wait3A_185 = arith.constant 2688 : i32
    %dma_wait3A_186 = tpu.memref_slice %arg9[%dma_wait3A_185] : memref<3200xf32, #tpu.memory_space<vmem>> -> memref<384xf32, #tpu.memory_space<vmem>>
    %dma_wait3A_187 = arith.constant 2688 : i32
    %dma_wait3A_188 = tpu.memref_slice %arg8[%dma_wait3A_187] : memref<3200xi32, #tpu.memory_space<vmem>> -> memref<384xi32, #tpu.memory_space<vmem>>
    %dma_wait3A_189 = arith.constant 0 : i32
    %dma_wait3A_190 = tpu.memref_slice %arg2[%dma_wait3A_189] : memref<12800000xf32, #tpu.memory_space<hbm>> -> memref<12800000xf32, #tpu.memory_space<hbm>>
    tpu.wait_indirect_dma semaphore(%arg17 : memref<!tpu.dma_semaphore, #tpu.memory_space<semaphore_mem>>) src(%dma_wait3A_190 : memref<12800000xf32, #tpu.memory_space<hbm>>) dst(%dma_wait3A_186 : memref<384xf32, #tpu.memory_space<vmem>>)
    %parallel_loop3A_191 = arith.constant 168 : i32
    %parallel_loop3A_192 = arith.constant 192 : i32
    %parallel_loop3A_193 = arith.constant 1 : i32
    scf.for %parallel_loop3A_267 = %parallel_loop3A_191 to %parallel_loop3A_192 step %parallel_loop3A_193  : i32 {
      %parallel_loop3A_268 = arith.constant 16 : i32
      %parallel_loop3A_269 = arith.muli %parallel_loop3A_267, %parallel_loop3A_268 : i32
      %parallel_loop3A_270 = arith.index_cast %parallel_loop3A_269 : i32 to index
      %parallel_loop3A_271 = tpu.vector_load %arg9[%parallel_loop3A_270] {strides = array<i32>} : memref<3200xf32, #tpu.memory_space<vmem>>, vector<16xf32>,
      %parallel_loop3A_272 = arith.mulf %broadcast_in_dim3A_10, %parallel_loop3A_271 : vector<16xf32>
      %parallel_loop3A_273 = arith.subf %mul3A_116, %parallel_loop3A_272 : vector<16xf32>
      %parallel_loop3A_274 = math.exp %parallel_loop3A_273 : vector<16xf32>
      %parallel_loop3A_275 = arith.subf %broadcast_in_dim3A_115, %parallel_loop3A_274 : vector<16xf32>
      %parallel_loop3A_276 = arith.maximumf %broadcast_in_dim3A_21, %parallel_loop3A_275 : vector<16xf32>
      %parallel_loop3A_277 = arith.index_cast %parallel_loop3A_269 : i32 to index
      %parallel_loop3A_278 = tpu.vector_load %arg10[%parallel_loop3A_277] {strides = array<i32>} : memref<3200xf32, #tpu.memory_space<vmem>>, vector<16xf32>,
      tpu.vector_store %arg10[%parallel_loop3A_277], %parallel_loop3A_276 {strides = array<i32>} : memref<3200xf32, #tpu.memory_space<vmem>>, vector<16xf32>,
    } {sc.loop_unroll_factor = 8 : i64, sc.parallel_access}
    %add3A_194 = arith.constant 2688 : i32
    %add3A_195 = arith.addi %multiple_of3A, %add3A_194 : i32
    %dma_start3A_196 = arith.constant 2688 : i32
    %dma_start3A_197 = tpu.memref_slice %arg10[%dma_start3A_196] : memref<3200xf32, #tpu.memory_space<vmem>> -> memref<384xf32, #tpu.memory_space<vmem>>
    %dma_start3A_198 = tpu.memref_slice %arg5[%add3A_195] : memref<100000xf32, #tpu.memory_space<hbm>> -> memref<384xf32, #tpu.memory_space<hbm>>
    %dma_start3A_199 = tpu.memref_slice %arg5[%add3A_195] : memref<100000xf32, #tpu.memory_space<hbm>> -> memref<384xf32, #tpu.memory_space<hbm>>
    %dma_start3A_200 = arith.constant 2688 : i32
    %dma_start3A_201 = tpu.memref_slice %arg10[%dma_start3A_200] : memref<3200xf32, #tpu.memory_space<vmem>> -> memref<384xf32, #tpu.memory_space<vmem>>
    tpu.enqueue_dma source(%dma_start3A_201 : memref<384xf32, #tpu.memory_space<vmem>>) target(%dma_start3A_199 : memref<384xf32, #tpu.memory_space<hbm>>) target_semaphore(%arg19 : memref<!tpu.dma_semaphore, #tpu.memory_space<semaphore_mem>>)
    %dma_wait3A_202 = arith.constant 3072 : i32
    %dma_wait3A_203 = tpu.memref_slice %arg9[%dma_wait3A_202] : memref<3200xf32, #tpu.memory_space<vmem>> -> memref<128xf32, #tpu.memory_space<vmem>>
    %dma_wait3A_204 = arith.constant 3072 : i32
    %dma_wait3A_205 = tpu.memref_slice %arg8[%dma_wait3A_204] : memref<3200xi32, #tpu.memory_space<vmem>> -> memref<128xi32, #tpu.memory_space<vmem>>
    %dma_wait3A_206 = arith.constant 0 : i32
    %dma_wait3A_207 = tpu.memref_slice %arg2[%dma_wait3A_206] : memref<12800000xf32, #tpu.memory_space<hbm>> -> memref<12800000xf32, #tpu.memory_space<hbm>>
    tpu.wait_indirect_dma semaphore(%arg18 : memref<!tpu.dma_semaphore, #tpu.memory_space<semaphore_mem>>) src(%dma_wait3A_207 : memref<12800000xf32, #tpu.memory_space<hbm>>) dst(%dma_wait3A_203 : memref<128xf32, #tpu.memory_space<vmem>>)
    %parallel_loop3A_208 = arith.constant 192 : i32
    %parallel_loop3A_209 = arith.constant 200 : i32
    %parallel_loop3A_210 = arith.constant 1 : i32
    scf.for %parallel_loop3A_267 = %parallel_loop3A_208 to %parallel_loop3A_209 step %parallel_loop3A_210  : i32 {
      %parallel_loop3A_268 = arith.constant 16 : i32
      %parallel_loop3A_269 = arith.muli %parallel_loop3A_267, %parallel_loop3A_268 : i32
      %parallel_loop3A_270 = arith.index_cast %parallel_loop3A_269 : i32 to index
      %parallel_loop3A_271 = tpu.vector_load %arg9[%parallel_loop3A_270] {strides = array<i32>} : memref<3200xf32, #tpu.memory_space<vmem>>, vector<16xf32>,
      %parallel_loop3A_272 = arith.mulf %broadcast_in_dim3A_10, %parallel_loop3A_271 : vector<16xf32>
      %parallel_loop3A_273 = arith.subf %mul3A_116, %parallel_loop3A_272 : vector<16xf32>
      %parallel_loop3A_274 = math.exp %parallel_loop3A_273 : vector<16xf32>
      %parallel_loop3A_275 = arith.subf %broadcast_in_dim3A_115, %parallel_loop3A_274 : vector<16xf32>
      %parallel_loop3A_276 = arith.maximumf %broadcast_in_dim3A_21, %parallel_loop3A_275 : vector<16xf32>
      %parallel_loop3A_277 = arith.index_cast %parallel_loop3A_269 : i32 to index
      %parallel_loop3A_278 = tpu.vector_load %arg10[%parallel_loop3A_277] {strides = array<i32>} : memref<3200xf32, #tpu.memory_space<vmem>>, vector<16xf32>,
      tpu.vector_store %arg10[%parallel_loop3A_277], %parallel_loop3A_276 {strides = array<i32>} : memref<3200xf32, #tpu.memory_space<vmem>>, vector<16xf32>,
    } {sc.loop_unroll_factor = 8 : i64, sc.parallel_access}
    %add3A_211 = arith.constant 3072 : i32
    %add3A_212 = arith.addi %multiple_of3A, %add3A_211 : i32
    %dma_start3A_213 = arith.constant 3072 : i32
    %dma_start3A_214 = tpu.memref_slice %arg10[%dma_start3A_213] : memref<3200xf32, #tpu.memory_space<vmem>> -> memref<128xf32, #tpu.memory_space<vmem>>
    %dma_start3A_215 = tpu.memref_slice %arg5[%add3A_212] : memref<100000xf32, #tpu.memory_space<hbm>> -> memref<128xf32, #tpu.memory_space<hbm>>
    %dma_start3A_216 = tpu.memref_slice %arg5[%add3A_212] : memref<100000xf32, #tpu.memory_space<hbm>> -> memref<128xf32, #tpu.memory_space<hbm>>
    %dma_start3A_217 = arith.constant 3072 : i32
    %dma_start3A_218 = tpu.memref_slice %arg10[%dma_start3A_217] : memref<3200xf32, #tpu.memory_space<vmem>> -> memref<128xf32, #tpu.memory_space<vmem>>
    tpu.enqueue_dma source(%dma_start3A_218 : memref<128xf32, #tpu.memory_space<vmem>>) target(%dma_start3A_216 : memref<128xf32, #tpu.memory_space<hbm>>) target_semaphore(%arg19 : memref<!tpu.dma_semaphore, #tpu.memory_space<semaphore_mem>>)
    %add3A_219 = arith.constant 0 : i32
    %add3A_220 = arith.addi %multiple_of3A, %add3A_219 : i32
    %dma_wait3A_221 = arith.constant 0 : i32
    %dma_wait3A_222 = tpu.memref_slice %arg10[%dma_wait3A_221] : memref<3200xf32, #tpu.memory_space<vmem>> -> memref<256xf32, #tpu.memory_space<vmem>>
    %dma_wait3A_223 = tpu.memref_slice %arg5[%add3A_220] : memref<100000xf32, #tpu.memory_space<hbm>> -> memref<256xf32, #tpu.memory_space<hbm>>
    %dma_wait3A_224 = tpu.memref_slice %arg5[%add3A_220] : memref<100000xf32, #tpu.memory_space<hbm>> -> memref<256xf32, #tpu.memory_space<hbm>>
    %dma_wait3A_225 = arith.constant 0 : i32
    %dma_wait3A_226 = tpu.memref_slice %arg10[%dma_wait3A_225] : memref<3200xf32, #tpu.memory_space<vmem>> -> memref<256xf32, #tpu.memory_space<vmem>>
    tpu.wait_dma2 semaphore(%arg19 : memref<!tpu.dma_semaphore, #tpu.memory_space<semaphore_mem>>) src(%dma_wait3A_226 : memref<256xf32, #tpu.memory_space<vmem>>) dst(%dma_wait3A_224 : memref<256xf32, #tpu.memory_space<hbm>>)
    %add3A_227 = arith.constant 256 : i32
    %add3A_228 = arith.addi %multiple_of3A, %add3A_227 : i32
    %dma_wait3A_229 = arith.constant 256 : i32
    %dma_wait3A_230 = tpu.memref_slice %arg10[%dma_wait3A_229] : memref<3200xf32, #tpu.memory_space<vmem>> -> memref<768xf32, #tpu.memory_space<vmem>>
    %dma_wait3A_231 = tpu.memref_slice %arg5[%add3A_228] : memref<100000xf32, #tpu.memory_space<hbm>> -> memref<768xf32, #tpu.memory_space<hbm>>
    %dma_wait3A_232 = tpu.memref_slice %arg5[%add3A_228] : memref<100000xf32, #tpu.memory_space<hbm>> -> memref<768xf32, #tpu.memory_space<hbm>>
    %dma_wait3A_233 = arith.constant 256 : i32
    %dma_wait3A_234 = tpu.memref_slice %arg10[%dma_wait3A_233] : memref<3200xf32, #tpu.memory_space<vmem>> -> memref<768xf32, #tpu.memory_space<vmem>>
    tpu.wait_dma2 semaphore(%arg19 : memref<!tpu.dma_semaphore, #tpu.memory_space<semaphore_mem>>) src(%dma_wait3A_234 : memref<768xf32, #tpu.memory_space<vmem>>) dst(%dma_wait3A_232 : memref<768xf32, #tpu.memory_space<hbm>>)
    %add3A_235 = arith.constant 1024 : i32
    %add3A_236 = arith.addi %multiple_of3A, %add3A_235 : i32
    %dma_wait3A_237 = arith.constant 1024 : i32
    %dma_wait3A_238 = tpu.memref_slice %arg10[%dma_wait3A_237] : memref<3200xf32, #tpu.memory_space<vmem>> -> memref<896xf32, #tpu.memory_space<vmem>>
    %dma_wait3A_239 = tpu.memref_slice %arg5[%add3A_236] : memref<100000xf32, #tpu.memory_space<hbm>> -> memref<896xf32, #tpu.memory_space<hbm>>
    %dma_wait3A_240 = tpu.memref_slice %arg5[%add3A_236] : memref<100000xf32, #tpu.memory_space<hbm>> -> memref<896xf32, #tpu.memory_space<hbm>>
    %dma_wait3A_241 = arith.constant 1024 : i32
    %dma_wait3A_242 = tpu.memref_slice %arg10[%dma_wait3A_241] : memref<3200xf32, #tpu.memory_space<vmem>> -> memref<896xf32, #tpu.memory_space<vmem>>
    tpu.wait_dma2 semaphore(%arg19 : memref<!tpu.dma_semaphore, #tpu.memory_space<semaphore_mem>>) src(%dma_wait3A_242 : memref<896xf32, #tpu.memory_space<vmem>>) dst(%dma_wait3A_240 : memref<896xf32, #tpu.memory_space<hbm>>)
    %add3A_243 = arith.constant 1920 : i32
    %add3A_244 = arith.addi %multiple_of3A, %add3A_243 : i32
    %dma_wait3A_245 = arith.constant 1920 : i32
    %dma_wait3A_246 = tpu.memref_slice %arg10[%dma_wait3A_245] : memref<3200xf32, #tpu.memory_space<vmem>> -> memref<768xf32, #tpu.memory_space<vmem>>
    %dma_wait3A_247 = tpu.memref_slice %arg5[%add3A_244] : memref<100000xf32, #tpu.memory_space<hbm>> -> memref<768xf32, #tpu.memory_space<hbm>>
    %dma_wait3A_248 = tpu.memref_slice %arg5[%add3A_244] : memref<100000xf32, #tpu.memory_space<hbm>> -> memref<768xf32, #tpu.memory_space<hbm>>
    %dma_wait3A_249 = arith.constant 1920 : i32
    %dma_wait3A_250 = tpu.memref_slice %arg10[%dma_wait3A_249] : memref<3200xf32, #tpu.memory_space<vmem>> -> memref<768xf32, #tpu.memory_space<vmem>>
    tpu.wait_dma2 semaphore(%arg19 : memref<!tpu.dma_semaphore, #tpu.memory_space<semaphore_mem>>) src(%dma_wait3A_250 : memref<768xf32, #tpu.memory_space<vmem>>) dst(%dma_wait3A_248 : memref<768xf32, #tpu.memory_space<hbm>>)
    %add3A_251 = arith.constant 2688 : i32
    %add3A_252 = arith.addi %multiple_of3A, %add3A_251 : i32
    %dma_wait3A_253 = arith.constant 2688 : i32
    %dma_wait3A_254 = tpu.memref_slice %arg10[%dma_wait3A_253] : memref<3200xf32, #tpu.memory_space<vmem>> -> memref<384xf32, #tpu.memory_space<vmem>>
    %dma_wait3A_255 = tpu.memref_slice %arg5[%add3A_252] : memref<100000xf32, #tpu.memory_space<hbm>> -> memref<384xf32, #tpu.memory_space<hbm>>
    %dma_wait3A_256 = tpu.memref_slice %arg5[%add3A_252] : memref<100000xf32, #tpu.memory_space<hbm>> -> memref<384xf32, #tpu.memory_space<hbm>>
    %dma_wait3A_257 = arith.constant 2688 : i32
    %dma_wait3A_258 = tpu.memref_slice %arg10[%dma_wait3A_257] : memref<3200xf32, #tpu.memory_space<vmem>> -> memref<384xf32, #tpu.memory_space<vmem>>
    tpu.wait_dma2 semaphore(%arg19 : memref<!tpu.dma_semaphore, #tpu.memory_space<semaphore_mem>>) src(%dma_wait3A_258 : memref<384xf32, #tpu.memory_space<vmem>>) dst(%dma_wait3A_256 : memref<384xf32, #tpu.memory_space<hbm>>)
    %add3A_259 = arith.constant 3072 : i32
    %add3A_260 = arith.addi %multiple_of3A, %add3A_259 : i32
    %dma_wait3A_261 = arith.constant 3072 : i32
    %dma_wait3A_262 = tpu.memref_slice %arg10[%dma_wait3A_261] : memref<3200xf32, #tpu.memory_space<vmem>> -> memref<128xf32, #tpu.memory_space<vmem>>
    %dma_wait3A_263 = tpu.memref_slice %arg5[%add3A_260] : memref<100000xf32, #tpu.memory_space<hbm>> -> memref<128xf32, #tpu.memory_space<hbm>>
    %dma_wait3A_264 = tpu.memref_slice %arg5[%add3A_260] : memref<100000xf32, #tpu.memory_space<hbm>> -> memref<128xf32, #tpu.memory_space<hbm>>
    %dma_wait3A_265 = arith.constant 3072 : i32
    %dma_wait3A_266 = tpu.memref_slice %arg10[%dma_wait3A_265] : memref<3200xf32, #tpu.memory_space<vmem>> -> memref<128xf32, #tpu.memory_space<vmem>>
    tpu.wait_dma2 semaphore(%arg19 : memref<!tpu.dma_semaphore, #tpu.memory_space<semaphore_mem>>) src(%dma_wait3A_266 : memref<128xf32, #tpu.memory_space<vmem>>) dst(%dma_wait3A_264 : memref<128xf32, #tpu.memory_space<hbm>>)
    return
  }
}

</mosaic_0001>

<sc_bundles>
// kernel: kernel.3.cloned.1.call-start
scs
__scs_entry_jumppad:
0x0: {  	(pc) =	sbr.rel $0x88, $3  }
0x1: {  	(tag) =	ssettag $0x0;
	lr =	simm.s32 $0x1  }
0x2: {  	[smem:$0x3F9B] =	sst lr;
	_ =	strace $0xD0000000  }
0x3: {  	_ = 	snop  }
0x4: {  	_ = 	snop  }
0x5: {  	_ = 	snop  }
0x6: {  	_ = 	snop  }
0x7: {  	_ = 	snop  }
__scs_overlays_trampoline_lowered:
0x8: {  	[smem:$0x3FAA] =	sst s0  }
0x9: {  	[smem:$0x3FAB] =	sst s1  }
0xa: {  	[smem:$0x3FAC] =	sst s2  }
0xb: {  	[smem:$0x3FAD] =	sst s3  }
0xc: {  	[smem:$0x3FAE] =	sst s4  }
0xd: {  	[smem:$0x3FAF] =	sst s5  }
0xe: {  	[smem:$0x3FB0] =	sst s6  }
0xf: {  	[smem:$0x3FB1] =	sst s7  }
0x10: {  	[smem:$0x3FB2] =	sst s8  }
0x11: {  	[smem:$0x3FB3] =	sst s9;
	s0 =	simm.s32 @!p0 $0x0  }
0x12: {  	s1 =	sld [smem:$0x3F99];
	s0 =	simm.s32 @p0 $0x1  }
0x13: {  	[smem:$0x3FB4] =	sst s0;
	s0 =	simm.s32 @!p1 $0x0  }
0x14: {  	s2 =	sld [smem:$0x3F98];
	s0 =	simm.s32 @p1 $0x1  }
0x15: {  	[smem:$0x3FB5] =	sst s0;
	s0 =	simm.s32 @!p2 $0x0  }
0x16: {  	s3 =	sld [smem:$0x3FDB];
	s0 =	simm.s32 @p2 $0x1  }
0x17: {  	s4 =	simm.s32 $0x1BF5;
	[smem:$0x3FB7] =	sst s0  }
0x18: {  	s0 =	sld [smem:$0x3F9A];
	_ =	swait.ge [sflag:s4], $0x0  }
0x19: {  	s7 =	sld [smem:$0x3F9B]  }
0x1a: {  	s8 =	sadd.s32 $0xFFFFE003, lr  }
0x1b: {  	s9 =	sadd.s32 $0xFFFFFEF7, lr;
	s5 =	simm.s32 $0xFFFFFFFF;
	p2 =	slt.u32 s8, $0xFFFFF086  }
0x1c: {  	p1 =	slt.u32 s9, $0xF7A;
	s5 =	simm.s32 @!p2 $0x0  }
0x1d: {  	s5 =	simm.s32 @p1 $0x1;
	p0 =	seq.s32 s7, s2  }
0x1e: {  	s7 =	smul.u32 @!p0 $0xF7A, s2;
	p2 =	seq.s32 @!p0 s5, $0x0  }
0x1f: {  	s9 =	smul.u32 $0xF7A, s1;
	s8 =	simm.s32 @!p0 $0x1BF5;
	p2 =	por !p2, p0  }
0x20: {  	[sflag:s8] =	ssyncset.s32 @!p0 $0xFFFFF086;
	s6 =	sadd.s32 @!p0 s3, s7;
	s7 =	simm.s32 @!p0 $0x108  }
0x21: {  	s3 =	sadd.s32 s3, s9;
	s6 =	sadd.s32 @!p0 $0x88, s6;
	s7 =	simm.s32 @p2 $0x1082  }
0x22: {  	[simem:s7], [sflag:s8] =	dma.local @!p0 [hbm:s6], $0xF7A  }
0x23: {  	s9 =	sor.u32 $0xD0000000, s2;
	s6 =	simm.s32 $0x108;
	_ =	swait.ge @!p0 [sflag:s8], $0x0  }
0x24: {  	s3 =	sadd.s32 $0x88, s3;
	s6 =	simm.s32 @!p1 $0x1082;
	[sflag:s4] =	ssyncset.s32 $0xFFFFF086  }
0x25: {  	[simem:s6], [sflag:s4] =	dma.local [hbm:s3], $0xF7A  }
0x26: {  	[smem:$0x3F9B] =	sst s1;
	(tag) =	ssettag s2;
	_ =	strace s9  }
0x27: {  	s1 =	sld [smem:$0x3FAB]  }
0x28: {  	s2 =	sld [smem:$0x3FAC]  }
0x29: {  	s4 =	sld [smem:$0x3FAE]  }
0x2a: {  	p0 =	seq.s32 s5, $0x0;
	s5 =	sld [smem:$0x3FAF]  }
0x2b: {  	s6 =	sld [smem:$0x3FB0]  }
0x2c: {  	s7 =	sld [smem:$0x3FB1]  }
0x2d: {  	s3 =	simm.s32 $0x108;
	s8 =	sld [smem:$0x3FB2]  }
0x2e: {  	s3 =	simm.s32 @!p0 $0x1082;
	s9 =	sld [smem:$0x3FB3]  }
0x2f: {  	lr =	sadd.s32 s0, s3;
	s0 =	sld [smem:$0x3FAA]  }
0x30: {  	s3 =	sld [smem:$0x3FAD]  }
0x31: {  	[smem:$0x3FB6] =	sst s10  }
0x32: {  	s10 =	sld [smem:$0x3FB4];
	_ =	sdelay $0x3  }
0x33: {  	p0 =	seq.s32 s10, $0x1;
	s10 =	sld [smem:$0x3FB6];
	_ =	sdelay $0x3  }
0x34: {  	[smem:$0x3FB6] =	sst s10  }
0x35: {  	s10 =	sld [smem:$0x3FB5];
	_ =	sdelay $0x3  }
0x36: {  	p1 =	seq.s32 s10, $0x1;
	s10 =	sld [smem:$0x3FB6];
	_ =	sdelay $0x3  }
0x37: {  	[smem:$0x3FB6] =	sst s10  }
0x38: {  	s10 =	sld [smem:$0x3FB7]  }
0x39: {  	_ = 	snop;
	(pc) =	sbr.ind lr, $3  }
0x3a: {  	_ = 	snop  }
0x3b: {  	_ = 	snop  }
0x3c: {  	p2 =	seq.s32 s10, $0x1;
	s10 =	sld [smem:$0x3FB6]  }
0x3d: {  	_ =	shalt  }
0x3e: {  	_ =	shalt  }
0x3f: {  	_ =	shalt  }
0x40: {  	_ =	shalt  }
0x41: {  	_ =	shalt  }
0x42: {  	_ =	shalt  }
0x43: {  	_ =	shalt  }
0x44: {  	_ =	shalt  }
0x45: {  	_ =	shalt  }
0x46: {  	_ =	shalt  }
0x47: {  	_ =	shalt  }
0x48: {  	_ =	shalt  }
0x49: {  	_ =	shalt  }
0x4a: {  	_ =	shalt  }
0x4b: {  	_ =	shalt  }
0x4c: {  	_ =	shalt  }
0x4d: {  	_ =	shalt  }
0x4e: {  	_ =	shalt  }
0x4f: {  	_ =	shalt  }
0x50: {  	_ =	shalt  }
0x51: {  	_ =	shalt  }
0x52: {  	_ =	shalt  }
0x53: {  	_ =	shalt  }
0x54: {  	_ =	shalt  }
0x55: {  	_ =	shalt  }
0x56: {  	_ =	shalt  }
0x57: {  	_ =	shalt  }
0x58: {  	_ =	shalt  }
0x59: {  	_ =	shalt  }
0x5a: {  	_ =	shalt  }
0x5b: {  	_ =	shalt  }
0x5c: {  	_ =	shalt  }
0x5d: {  	_ =	shalt  }
0x5e: {  	_ =	shalt  }
0x5f: {  	_ =	shalt  }
0x60: {  	_ =	shalt  }
0x61: {  	_ =	shalt  }
0x62: {  	_ =	shalt  }
0x63: {  	_ =	shalt  }
0x64: {  	_ =	shalt  }
0x65: {  	_ =	shalt  }
0x66: {  	_ =	shalt  }
0x67: {  	_ =	shalt  }
0x68: {  	_ =	shalt  }
0x69: {  	_ =	shalt  }
0x6a: {  	_ =	shalt  }
0x6b: {  	_ =	shalt  }
0x6c: {  	_ =	shalt  }
0x6d: {  	_ =	shalt  }
0x6e: {  	_ =	shalt  }
0x6f: {  	_ =	shalt  }
0x70: {  	_ =	shalt  }
0x71: {  	_ =	shalt  }
0x72: {  	_ =	shalt  }
0x73: {  	_ =	shalt  }
0x74: {  	_ =	shalt  }
0x75: {  	_ =	shalt  }
0x76: {  	_ =	shalt  }
0x77: {  	_ =	shalt  }
0x78: {  	_ =	shalt  }
0x79: {  	_ =	shalt  }
0x7a: {  	_ =	shalt  }
0x7b: {  	_ =	shalt  }
0x7c: {  	_ =	shalt  }
0x7d: {  	_ =	shalt  }
0x7e: {  	_ =	shalt  }
0x7f: {  	_ =	shalt  }
0x80: {  	_ =	shalt  }
0x81: {  	_ =	shalt  }
0x82: {  	_ =	shalt  }
0x83: {  	_ =	shalt  }
0x84: {  	_ =	shalt  }
0x85: {  	_ =	shalt  }
0x86: {  	_ =	shalt  }
0x87: {  	_ =	shalt  }
.Lfunc_end0:
.L_simem_size_0:
called_computation_lowered:
.L_overlay_start_0:
0x88: {  	s2 =	sld [smem:$0x3FD9]  }
0x89: {  	s3 =	sld [smem:$0x3FFE];
	_ =	sdelay $0x1  }
0x8a: {  	s1 =	srdreg.scid  }
0x8b: {  	s0 =	sand.u32 $0x1, s1  }
0x8c: {  	s17 =	sshll.u32 s0, $0xA;
	s2 =	sadd.s32 s3, s2  }
0x8d: {  	s2 =	sadd.s32 s2, s17  }
0x8e: {  	[smem:$0x3FC2] =	sst s2  }
0x8f: {  	_ = 	snop  }
0x90: {  	s2 =	sld [smem:$0x3FC9]  }
0x91: {  	s18 =	sld [smem:$0x3FC8]  }
0x92: {  	s4 =	sld [smem:$0x3FD0];
	(tm) =	ssettm $0x1  }
0x93: {  	s5 =	sld [smem:$0x3FFB];
	_ =	sdelay $0x3  }
0x94: {  	_ =	strace s5  }
0x95: {  	s5 =	sld [smem:$0x3FFC];
	_ =	sdelay $0x3  }
0x96: {  	_ =	strace s5  }
0x97: {  	s5 =	sld [smem:$0x3FFD];
	_ =	sdelay $0x3  }
0x98: {  	_ =	strace s5  }
0x99: {  	_ =	strace $0x8FFFFFFF  }
0x9a: {  	s19 =	sld [smem:$0x3FDB];
	_ =	sdelay $0x1  }
0x9b: {  	s6 =	simm.s32 $_scs_section_size  }
0x9c: {  	s7 =	simm.s32 $_size__tile_overlayer_lowered;
	s8 =	simm.s32 $_tile_overlayer_lowered  }
0x9d: {  	s22 =	simm.s32 $0x1BFF;
	s21 =	sshll.u32 s8, $0x1;
	s5 =	sadd.s32 s6, s19  }
0x9e: {  	s9 =	simm.s32 $0x0;
	s20 =	sshll.u32 s7, $0x1;
	s7 =	sadd.s32 s21, s5  }
0x9f: {  	[timem:s9], [sflag:s22] =	dma.local [hbm:s7], s20  }
0xa0: {  	_ =	swait.ge [sflag:s22], s20  }
0xa1: {  	s6 =	ssub.s32 $0x0, s20;
	[sflag:s22] =	ssyncset.done $0x0  }
0xa2: {  	[sflag:s22] =	ssyncadd.s32 s6;
	_ =	sdelay $0x1  }
0xa3: {  	s23 =	simm.s32 $0x1B8B  }
0xa4: {  	_ =	swait.ge [sflag:s23], $0x1  }
0xa5: {  	[sflag:s23] =	ssyncset.done $0x0  }
0xa6: {  	s25 =	simm.s32 $0x1B8E;
	s24 =	sld [smem:$0x3FFE];
	[sflag:s23] =	ssyncadd.s32 $0xFFFFFFFF  }
0xa7: {  	s26 =	simm.s32 $execute0_lowered;
	[smem:$0x3FD2] =	sst s25  }
0xa8: {  	s7 =	sshll.u32 s26, $0x1;
	_ =	strace $0x80000046;
	[dreg:$0x1] =	wrdreg $0xFFFFFFFF  }
0xa9: {  	s28 =	simm.s32 $_size_execute0_lowered;
	s5 =	sadd.s32 s5, s7;
	[dreg:$0x0] =	wrdreg $0x0  }
0xaa: {  	s7 =	sshll.u32 s28, $0x1;
	[dreg:$0x2] =	wrdreg s5  }
0xab: {  	[dreg:$0x3] =	wrdreg s7  }
0xac: {  	[dreg:$0x4] =	wrdreg $0xC0  }
0xad: {  	_ =	task [dreg:s9], $0x5FFFF  }
0xae: {  	[dreg:$0x1] =	wrdreg $0xFFFFFFFF  }
0xaf: {  	[dreg:$0x0] =	wrdreg $0x60  }
0xb0: {  	[dreg:$0x2] =	wrdreg s2  }
0xb1: {  	[dreg:$0x3] =	wrdreg s18  }
0xb2: {  	[dreg:$0x4] =	wrdreg s24  }
0xb3: {  	[dreg:$0x5] =	wrdreg s4  }
0xb4: {  	[dreg:$0x6] =	wrdreg $0x9  }
0xb5: {  	_ =	task.clear_ibuf [dreg:s9], $0x7FFFF;
	_ =	strace $0x90000046  }
0xb6: {  	s29 =	simm.s32 $0x9;
	_ =	strace $0x80000048  }
0xb7: {  	_ =	swait.ge [sflag:s29], $0x1  }
0xb8: {  	[sflag:s29] =	ssyncadd.s32 $0xFFFFFFFF  }
0xb9: {  	_ =	strace $0x90000048  }
0xba: {  	_ =	sfence  }
0xbb: {  	s30 =	sld [smem:$0x0];
	_ =	sdelay $0x2  }
0xbc: {  	s31 =	sshll.u32 s1, $0xD;
	s1 =	sshrl.u32 s1, $0x2  }
0xbd: {  	s3 =	sand.u32 $0x4000, s31;
	s1 =	sadd.s32 s1, s30  }
0xbe: {  	s0 =	sor.u32 s3, s0;
	s1 =	sshll.u32 s1, $0x11  }
0xbf: {  	s0 =	sor.u32 s1, s0  }
0xc0: {  	s0 =	sadd.s32 $0x8F2B, s0  }
0xc1: {  	[sflag:s0] =	ssyncadd.remote.s32 $0x1  }
0xc2: {  	_ =	sfence.sel $0xFFFF  }
0xc3: {  	[dreg:$0x0] =	wrdreg $0xFFFFFFFF;
	(pc) =	sbr.abs _section_cstart, $3  }
0xc4: {  	[dreg:$0x1] =	wrdreg $0xFFFFFFFF  }
0xc5: {  	_ =	task.clear_ibuf [dreg:s9], $0x2FFFF;
	_ =	strace $0x9FFFFFFF  }
0xc6: {  	(tm) =	ssettm $0x7FFFFFFF  }
0xc7: {  	_ =	shalt  }
tec
execute0_lowered:
.L_overlay_start_1:
0x0: {  	(tag) =	ssettag $0x1  }
0x1: {  	s1 =	rddreg [dreg:$0x0]  }
0x2: {  	s0 =	srdreg.scid;
	s3 =	rddreg [dreg:$0x2]  }
0x3: {  	s2 =	stileid.u32;
	s5 =	rddreg [dreg:$0x3];
	s4 =	simm.s32 $0x0  }
0x4: {  	s13 =	simm.s32 $0x1;
	s14 =	simm.s32 $0x10;
	s18 =	simm.s32 $0x300  }
0x5: {  	s16 =	simm.s32 $0x4;
	s19 =	simm.s32 $0x5;
	s21 =	simm.s32 $0x6  }
0x6: {  	s23 =	simm.s32 $0x7;
	s0 =	sand.u32 $0x1, s0;
	s2 =	sshll.u32 s2, $0x1  }
0x7: {  	s24 =	simm.s32 $0x2410;
	s25 =	simm.s32 $0x8;
	s2 =	sor.u32 s0, s2  }
0x8: {  	s26 =	simm.s32 $0x2590;
	s0 =	ssub.s32 $0x2, s0;
	s2 =	smul.u32 $0xC80, s2  }
0x9: {  	s28 =	simm.s32 $0x9;
	s29 =	simm.s32 $0x0;
	s7 =	sshrl.u32 s0, $0x1  }
0xa: {  	[smem:$0x7FF] =	sst s4;
	s0 =	ssub.s32 s0, s7;
	s2 =	smin.u32 s2, $0x17A20  }
0xb: {  	v0 =	vlaneseq.u32;
	_ =	strace $0x80000047;
	s12 =	smax.u32 s0, $0x1;
	s6 =	sshrl.u32 s2, $0x3  }
0xc: {  	v0 =	vmul.u32 $0x80, v0;
	s0 =	simm.s32 $0x2;
	v1 =	vmov s2;
	s5 =	sadd.s32 s5, s6;
	s6 =	sadd.s32 $0x200, s3  }
0xd: {  	vm0 =	vcmask $0xB10;
	vm1 =	vcmask $0x70C;
	s3 =	simm.s32 $0x3;
	v1 =	vshll.u32 v1, $0x7;
	s7 =	sadd.s32 $0x20, s5;
	s8 =	sadd.s32 $0x80, s5  }
0xe: {  	vm2 =	vmmov $0x1;
	vm3 =	vcmask $0x308;
	s9 =	sadd.s32 $0xF0, s5;
	s10 =	sadd.s32 $0x150, s5;
	s11 =	sadd.s32 $0x180, s5;
	v0 =	vor.u32 v0, v1  }
.LBB2_1:
0xf: {  	[tilespmem:s4], [sflag:$0x1] =	stream.linear.gather [hbm4b:s6+s4], $0x10, $0x38;
	[tilespmem:$0x2610] =	vst v63  }
0x10: {  	_ =	swait.ge [sflag:s13], $0x10  }
0x11: {  	[sflag:s13] =	ssyncset.done $0x0  }
0x12: {  	[sflag:s13] =	ssyncadd.s32 $0xFFFFFFF0  }
0x13: {  	v2 =	vld [tilespmem:$0x0];
	_ =	sdelay $0x4  }
0x14: {  	v1 =	vsel vm0, $0xFF800000, v2  }
0x15: {  	(xrf0) =	vmax.scan.msk.f32 $0xffff, v1;
	v1 =	vsel vm1, $0xFF800000, v2  }
0x16: {  	(xrf0) =	vmax.scan.msk.f32 $0xffff, v1;
	_ =	sdelay $0x4  }
0x17: {  	v1, _, _ =	vpop (xrf0)  }
0x18: {  	(v2sf) =	vpush v1, $0xF;
	v1, _, _ =	vpop (xrf0)  }
0x19: {  	(v2sf) =	vpush v1, $0xF;
	_ =	sdelay $0xd  }
0x1a: {  	s2 =	spop (v2sf)  }
0x1b: {  	s15 =	spop (v2sf)  }
0x1c: {  	s15 =	scvt.f32.s32 s15;
	_ =	sdelay $0x1  }
0x1d: {  	s2 =	scvt.f32.s32 s2;
	s15 =	sshll.u32 s15, $0x4  }
0x1e: {  	s17 =	rddreg [dreg:$0x1];
	s15 =	sand.u32 $0x1FFFFFF0, s15  }
0x1f: {  	p0 =	por $0x1, $0x1;
	v1 =	vmov s2;
	v3 =	vadd.s32 s2, v0;
	s2 =	simm.s32 $0x0;
	s15 =	sadd.s32 s17, s15  }
0x20: {  	[tilespmem:s14], [sflag:$0x2] =	stream.linear.gather [hbm4b:s15+s4], $0x80, $0x38;
	[tilespmem:$0x2610] =	vst v63  }
.LBB2_2:
0x21: {  	s15 =	sshll.u32 s2, $0xB;
	s30 =	sshll.u32 s2, $0x4  }
0x22: {  	s31 =	sor.u32 $0x1, s2;
	s20 =	sor.u32 $0x2, s2;
	p1 =	por p0, p0  }
0x23: {  	s30 =	sand.u32 $0x3FFFFFF0, s30;
	s17 =	sshll.u32 s31, $0x4;
	s31 =	sshll.u32 s31, $0xB  }
0x24: {  	s22 =	sshll.u32 s20, $0x4;
	v4 =	vadd.s32 s15, v3;
	s15 =	sshll.u32 s20, $0xB;
	s17 =	sand.u32 $0x3FFFFFF0, s17  }
0x25: {  	s20 =	sand.u32 $0x3FFFFFF0, s22;
	s22 =	sor.u32 $0x3, s2;
	[tilespmem:s30+$0x90] =	vst v4;
	v4 =	vadd.s32 s31, v3;
	s31 =	sor.u32 $0x4, s2  }
0x26: {  	s30 =	sshll.u32 s22, $0xB;
	s22 =	sshll.u32 s22, $0x4;
	[tilespmem:s17+$0x90] =	vst v4;
	v4 =	vadd.s32 s15, v3;
	s17 =	sshll.u32 s31, $0x4  }
0x27: {  	s15 =	sand.u32 $0x3FFFFFF0, s22;
	s22 =	sor.u32 $0x5, s2;
	[tilespmem:s20+$0x90] =	vst v4;
	s20 =	sshll.u32 s31, $0xB  }
0x28: {  	v4 =	vadd.s32 s30, v3;
	s17 =	sand.u32 $0x3FFFFFF0, s17;
	s31 =	sshll.u32 s22, $0x4;
	s22 =	sshll.u32 s22, $0xB  }
.Ltmp0:
0x29: {  	[tilespmem:s15+$0x90] =	vst v4;
	v4 =	vadd.s32 s20, v3;
	s20 =	sand.u32 $0x3FFFFFF0, s31;
	s31 =	sor.u32 $0x6, s2;
	(pc) =	sbr.rel @p1 .LBB2_2-.Ltmp0, $4  }
0x2a: {  	[tilespmem:s17+$0x90] =	vst v4;
	v4 =	vadd.s32 s22, v3;
	s22 =	sor.u32 $0x7, s2;
	s30 =	sshll.u32 s31, $0xB;
	s31 =	sshll.u32 s31, $0x4  }
0x2b: {  	[tilespmem:s20+$0x90] =	vst v4;
	s2 =	sshll.u32 s22, $0x4;
	v4 =	vadd.s32 s30, v3;
	s30 =	sand.u32 $0x3FFFFFF0, s31;
	s31 =	sshll.u32 s22, $0xB  }
0x2c: {  	s2 =	sand.u32 $0x3FFFFFF0, s2;
	[tilespmem:s30+$0x90] =	vst v4;
	v4 =	vadd.s32 s31, v3  }
0x2d: {  	p0 =	por $0x0, $0x0;
	[tilespmem:s2+$0x90] =	vst v4;
	s2 =	simm.s32 $0x8  }
0x2e: {  	s2 =	simm.s32 $0x100  }
0x2f: {  	s15 =	simm.s32 $0x90;
	s17 =	simm.s32 $0xD10;
	s20 =	simm.s32 $0xB800  }
0x30: {  	[tilespmem:s17], [sflag:$0x3] =	stream.indirect.gather [hbm4b:s1+s2], $0x1, s15, s2, $0xb8;
	[tilespmem:$0x2610] =	vst v63  }
0x31: {  	s22 =	simm.s32 $0x8800;
	s2 =	simm.s32 $0x200;
	v4 =	vadd.s32 s20, v3  }
0x32: {  	s31 =	simm.s32 $0x9000;
	v5 =	vadd.s32 s22, v3;
	[tilespmem:s2+$0x0] =	vst v4  }
0x33: {  	s17 =	simm.s32 $0x9800;
	v4 =	vadd.s32 s31, v3;
	[tilespmem:s2+$0xFFFFFFA0] =	vst v5  }
0x34: {  	s22 =	simm.s32 $0xA800;
	v5 =	vadd.s32 s17, v3;
	[tilespmem:s2+$0xFFFFFFB0] =	vst v4  }
0x35: {  	s20 =	simm.s32 $0xA000;
	v6 =	vadd.s32 s22, v3;
	[tilespmem:s2+$0xFFFFFFC0] =	vst v5  }
0x36: {  	s31 =	simm.s32 $0x8000;
	v4 =	vadd.s32 s20, v3;
	s20 =	simm.s32 $0xB000;
	[tilespmem:s2+$0xFFFFFFE0] =	vst v6  }
0x37: {  	s30 =	simm.s32 $0xC000;
	s15 =	simm.s32 $0x10;
	[tilespmem:s2+$0xFFFFFFD0] =	vst v4;
	v4 =	vadd.s32 s31, v3;
	v5 =	vadd.s32 s20, v3  }
.LBB2_4:
0x38: {  	v6 =	vadd.s32 s30, v3;
	s17 =	sadd.s32 $0x800, s30;
	s20 =	sadd.s32 $0x3800, s30;
	s15 =	sadd.s32 $0x8, s15;
	[tilespmem:s2+$0xFFFFFFF0] =	vst v5  }
0x39: {  	v5 =	vadd.s32 s17, v3;
	s17 =	sadd.s32 $0x1000, s30;
	v7 =	vadd.s32 s20, v3;
	p0 =	slt.u32 s15, $0x38;
	[tilespmem:s2+$0xFFFFFF90] =	vst v4;
	s2 =	sadd.s32 $0x80, s2;
	v4 =	vmov v6  }
0x3a: {  	s22 =	sadd.s32 $0x2800, s30;
	s20 =	sadd.s32 $0x2000, s30;
	v6 =	vadd.s32 s17, v3;
	s17 =	sadd.s32 $0x1800, s30;
	[tilespmem:s2+$0x0] =	vst v7  }
.Ltmp1:
0x3b: {  	v9 =	vadd.s32 s22, v3;
	v8 =	vadd.s32 s20, v3;
	[tilespmem:s2+$0xFFFFFFA0] =	vst v5;
	v7 =	vadd.s32 s17, v3;
	s17 =	sadd.s32 $0x3000, s30;
	(pc) =	sbr.rel @p0 .LBB2_4-.Ltmp1, $4  }
0x3c: {  	[tilespmem:s2+$0xFFFFFFB0] =	vst v6;
	v5 =	vadd.s32 s17, v3  }
0x3d: {  	[tilespmem:s2+$0xFFFFFFC0] =	vst v7  }
0x3e: {  	[tilespmem:s2+$0xFFFFFFD0] =	vst v8  }
0x3f: {  	s30 =	sadd.s32 $0x4000, s30;
	[tilespmem:s2+$0xFFFFFFE0] =	vst v9  }
0x40: {  	[tilespmem:s2+$0xFFFFFFF0] =	vst v5;
	s20 =	simm.s32 $0x190;
	s15 =	simm.s32 $0xE10  }
0x41: {  	[tilespmem:s2+$0xFFFFFF90] =	vst v4;
	s22 =	simm.s32 $0x23800;
	s2 =	simm.s32 $0x500;
	s17 =	simm.s32 $0x20800  }
0x42: {  	[tilespmem:s15], [sflag:$0x4] =	stream.indirect.gather [hbm4b:s1+s18], $0x1, s20, s18, $0xb8;
	v4 =	vadd.s32 s22, v3;
	[tilespmem:$0x2610] =	vst v63  }
0x43: {  	s31 =	simm.s32 $0x21000;
	v5 =	vadd.s32 s17, v3;
	[tilespmem:s2+$0x0] =	vst v4  }
0x44: {  	s17 =	simm.s32 $0x21800;
	v4 =	vadd.s32 s31, v3;
	[tilespmem:s2+$0xFFFFFFA0] =	vst v5  }
0x45: {  	s22 =	simm.s32 $0x22800;
	v5 =	vadd.s32 s17, v3;
	[tilespmem:s2+$0xFFFFFFB0] =	vst v4  }
0x46: {  	s20 =	simm.s32 $0x22000;
	v6 =	vadd.s32 s22, v3;
	[tilespmem:s2+$0xFFFFFFC0] =	vst v5  }
0x47: {  	s31 =	simm.s32 $0x20000;
	v4 =	vadd.s32 s20, v3;
	s20 =	simm.s32 $0x23000;
	[tilespmem:s2+$0xFFFFFFE0] =	vst v6  }
0x48: {  	s30 =	simm.s32 $0x24000;
	s15 =	simm.s32 $0x40;
	[tilespmem:s2+$0xFFFFFFD0] =	vst v4;
	v4 =	vadd.s32 s31, v3;
	v5 =	vadd.s32 s20, v3  }
.LBB2_6:
0x49: {  	v6 =	vadd.s32 s30, v3;
	s17 =	sadd.s32 $0x800, s30;
	s20 =	sadd.s32 $0x3800, s30;
	s15 =	sadd.s32 $0x8, s15;
	[tilespmem:s2+$0xFFFFFFF0] =	vst v5  }
0x4a: {  	v5 =	vadd.s32 s17, v3;
	s17 =	sadd.s32 $0x1000, s30;
	v7 =	vadd.s32 s20, v3;
	p0 =	slt.u32 s15, $0x70;
	[tilespmem:s2+$0xFFFFFF90] =	vst v4;
	s2 =	sadd.s32 $0x80, s2;
	v4 =	vmov v6  }
0x4b: {  	s22 =	sadd.s32 $0x2800, s30;
	s20 =	sadd.s32 $0x2000, s30;
	v6 =	vadd.s32 s17, v3;
	s17 =	sadd.s32 $0x1800, s30;
	[tilespmem:s2+$0x0] =	vst v7  }
.Ltmp2:
0x4c: {  	v9 =	vadd.s32 s22, v3;
	v8 =	vadd.s32 s20, v3;
	[tilespmem:s2+$0xFFFFFFA0] =	vst v5;
	v7 =	vadd.s32 s17, v3;
	s17 =	sadd.s32 $0x3000, s30;
	(pc) =	sbr.rel @p0 .LBB2_6-.Ltmp2, $4  }
0x4d: {  	[tilespmem:s2+$0xFFFFFFB0] =	vst v6;
	v5 =	vadd.s32 s17, v3  }
0x4e: {  	[tilespmem:s2+$0xFFFFFFC0] =	vst v7  }
0x4f: {  	[tilespmem:s2+$0xFFFFFFD0] =	vst v8  }
0x50: {  	s30 =	sadd.s32 $0x4000, s30;
	[tilespmem:s2+$0xFFFFFFE0] =	vst v9  }
0x51: {  	[tilespmem:s2+$0xFFFFFFF0] =	vst v5;
	s31 =	simm.s32 $0x380;
	s15 =	simm.s32 $0x490;
	s17 =	simm.s32 $0x1110  }
0x52: {  	[tilespmem:s2+$0xFFFFFF90] =	vst v4;
	s20 =	simm.s32 $0x3F800;
	s2 =	simm.s32 $0x880;
	s22 =	simm.s32 $0x3C800  }
0x53: {  	[tilespmem:s17], [sflag:$0x5] =	stream.indirect.gather [hbm4b:s1+s31], $0x1, s15, s31, $0xb8;
	v4 =	vadd.s32 s20, v3;
	[tilespmem:$0x2610] =	vst v63  }
0x54: {  	v5 =	vadd.s32 s22, v3;
	s31 =	simm.s32 $0x3D000;
	[tilespmem:s2+$0x0] =	vst v4  }
0x55: {  	s17 =	simm.s32 $0x3D800;
	v4 =	vadd.s32 s31, v3;
	[tilespmem:s2+$0xFFFFFFA0] =	vst v5  }
0x56: {  	s22 =	simm.s32 $0x3E800;
	v5 =	vadd.s32 s17, v3;
	[tilespmem:s2+$0xFFFFFFB0] =	vst v4  }
0x57: {  	s20 =	simm.s32 $0x3E000;
	v6 =	vadd.s32 s22, v3;
	[tilespmem:s2+$0xFFFFFFC0] =	vst v5  }
0x58: {  	s31 =	simm.s32 $0x3C000;
	v4 =	vadd.s32 s20, v3;
	s20 =	simm.s32 $0x3F000;
	[tilespmem:s2+$0xFFFFFFE0] =	vst v6  }
0x59: {  	s30 =	simm.s32 $0x40000;
	s15 =	simm.s32 $0x78;
	[tilespmem:s2+$0xFFFFFFD0] =	vst v4;
	v4 =	vadd.s32 s31, v3;
	v5 =	vadd.s32 s20, v3  }
.LBB2_8:
0x5a: {  	v6 =	vadd.s32 s30, v3;
	s17 =	sadd.s32 $0x800, s30;
	s20 =	sadd.s32 $0x3800, s30;
	s15 =	sadd.s32 $0x8, s15;
	[tilespmem:s2+$0xFFFFFFF0] =	vst v5  }
0x5b: {  	v5 =	vadd.s32 s17, v3;
	s17 =	sadd.s32 $0x1000, s30;
	v7 =	vadd.s32 s20, v3;
	p0 =	slt.u32 s15, $0xA0;
	[tilespmem:s2+$0xFFFFFF90] =	vst v4;
	s2 =	sadd.s32 $0x80, s2;
	v4 =	vmov v6  }
0x5c: {  	s22 =	sadd.s32 $0x2800, s30;
	s20 =	sadd.s32 $0x2000, s30;
	v6 =	vadd.s32 s17, v3;
	s17 =	sadd.s32 $0x1800, s30;
	[tilespmem:s2+$0x0] =	vst v7  }
.Ltmp3:
0x5d: {  	v9 =	vadd.s32 s22, v3;
	v8 =	vadd.s32 s20, v3;
	[tilespmem:s2+$0xFFFFFFA0] =	vst v5;
	v7 =	vadd.s32 s17, v3;
	s17 =	sadd.s32 $0x3000, s30;
	(pc) =	sbr.rel @p0 .LBB2_8-.Ltmp3, $4  }
0x5e: {  	[tilespmem:s2+$0xFFFFFFB0] =	vst v6;
	v5 =	vadd.s32 s17, v3  }
0x5f: {  	[tilespmem:s2+$0xFFFFFFC0] =	vst v7  }
0x60: {  	[tilespmem:s2+$0xFFFFFFD0] =	vst v8  }
0x61: {  	s30 =	sadd.s32 $0x4000, s30;
	[tilespmem:s2+$0xFFFFFFE0] =	vst v9  }
0x62: {  	[tilespmem:s2+$0xFFFFFFF0] =	vst v5;
	s20 =	simm.s32 $0x810;
	s15 =	simm.s32 $0x1490  }
0x63: {  	[tilespmem:s2+$0xFFFFFF90] =	vst v4;
	s22 =	simm.s32 $0x57800;
	s2 =	simm.s32 $0xB80;
	s17 =	simm.s32 $0x54800  }
0x64: {  	[tilespmem:s15], [sflag:$0x6] =	stream.indirect.gather [hbm4b:s1+s18], $0x1, s20, s18, $0xb8;
	v4 =	vadd.s32 s22, v3;
	[tilespmem:$0x2610] =	vst v63  }
0x65: {  	s31 =	simm.s32 $0x55000;
	v5 =	vadd.s32 s17, v3;
	[tilespmem:s2+$0x0] =	vst v4  }
0x66: {  	s17 =	simm.s32 $0x55800;
	v4 =	vadd.s32 s31, v3;
	[tilespmem:s2+$0xFFFFFFA0] =	vst v5  }
0x67: {  	s22 =	simm.s32 $0x56800;
	v5 =	vadd.s32 s17, v3;
	[tilespmem:s2+$0xFFFFFFB0] =	vst v4  }
0x68: {  	s20 =	simm.s32 $0x56000;
	v6 =	vadd.s32 s22, v3;
	[tilespmem:s2+$0xFFFFFFC0] =	vst v5  }
0x69: {  	s31 =	simm.s32 $0x54000;
	v4 =	vadd.s32 s20, v3;
	s20 =	simm.s32 $0x57000;
	[tilespmem:s2+$0xFFFFFFE0] =	vst v6  }
0x6a: {  	s30 =	simm.s32 $0x58000;
	s15 =	simm.s32 $0xA8;
	[tilespmem:s2+$0xFFFFFFD0] =	vst v4;
	v4 =	vadd.s32 s31, v3;
	v5 =	vadd.s32 s20, v3  }
.LBB2_10:
0x6b: {  	v6 =	vadd.s32 s30, v3;
	s17 =	sadd.s32 $0x800, s30;
	s20 =	sadd.s32 $0x3800, s30;
	s15 =	sadd.s32 $0x8, s15;
	[tilespmem:s2+$0xFFFFFFF0] =	vst v5  }
0x6c: {  	v5 =	vadd.s32 s17, v3;
	s17 =	sadd.s32 $0x1000, s30;
	v7 =	vadd.s32 s20, v3;
	p0 =	slt.u32 s15, $0xB8;
	[tilespmem:s2+$0xFFFFFF90] =	vst v4;
	s2 =	sadd.s32 $0x80, s2;
	v4 =	vmov v6  }
0x6d: {  	s22 =	sadd.s32 $0x2800, s30;
	s20 =	sadd.s32 $0x2000, s30;
	v6 =	vadd.s32 s17, v3;
	s17 =	sadd.s32 $0x1800, s30;
	[tilespmem:s2+$0x0] =	vst v7  }
.Ltmp4:
0x6e: {  	v9 =	vadd.s32 s22, v3;
	v8 =	vadd.s32 s20, v3;
	[tilespmem:s2+$0xFFFFFFA0] =	vst v5;
	v7 =	vadd.s32 s17, v3;
	s17 =	sadd.s32 $0x3000, s30;
	(pc) =	sbr.rel @p0 .LBB2_10-.Ltmp4, $4  }
0x6f: {  	[tilespmem:s2+$0xFFFFFFB0] =	vst v6;
	v5 =	vadd.s32 s17, v3  }
0x70: {  	[tilespmem:s2+$0xFFFFFFC0] =	vst v7  }
0x71: {  	[tilespmem:s2+$0xFFFFFFD0] =	vst v8  }
0x72: {  	s30 =	sadd.s32 $0x4000, s30;
	[tilespmem:s2+$0xFFFFFFE0] =	vst v9  }
0x73: {  	[tilespmem:s2+$0xFFFFFFF0] =	vst v5  }
0x74: {  	[tilespmem:s2+$0xFFFFFF90] =	vst v4;
	s20 =	simm.s32 $0x180;
	s15 =	simm.s32 $0xB10;
	s17 =	simm.s32 $0x1790  }
0x75: {  	v4 =	vadd.s32 $0x60000, v3;
	v5 =	vnsel vm2, $0xFF800000, v2;
	[tilespmem:s17], [sflag:$0x7] =	stream.indirect.gather [hbm4b:s1+s20], $0x1, s15, s20, $0xb8;
	[tilespmem:$0x2610] =	vst v63  }
0x76: {  	v2 =	vsel vm3, $0xFF800000, v2;
	(xrf0) =	vmax.scan.msk.f32 $0xffff, v5;
	[tilespmem:$0xC90] =	vst v4;
	v4 =	vadd.s32 $0x60800, v3  }
0x77: {  	(xrf0) =	vmax.scan.msk.f32 $0xffff, v2;
	v2 =	vadd.s32 $0x61800, v3;
	[tilespmem:$0xCA0] =	vst v4  }
0x78: {  	[tilespmem:$0xCC0] =	vst v2;
	v2 =	vadd.s32 $0x62000, v3  }
0x79: {  	[tilespmem:$0xCD0] =	vst v2;
	v2 =	vadd.s32 $0x62800, v3  }
0x7a: {  	[tilespmem:$0xCE0] =	vst v2;
	v2 =	vadd.s32 $0x63000, v3  }
0x7b: {  	v4 =	vadd.s32 $0x61000, v3;
	[tilespmem:$0xCF0] =	vst v2;
	v2 =	vadd.s32 $0x63800, v3  }
0x7c: {  	[tilespmem:$0xCB0] =	vst v4  }
0x7d: {  	s22 =	simm.s32 $0x80;
	s30 =	simm.s32 $0xC90;
	s31 =	simm.s32 $0x1910;
	v3, _, _ =	vpop (xrf0);
	[tilespmem:$0xD00] =	vst v2  }
0x7e: {  	[tilespmem:s31], [sflag:$0x8] =	stream.indirect.gather [hbm4b:s1+s22], $0x1, s30, s22, $0xb8;
	v2, _, _ =	vpop (xrf0);
	[tilespmem:$0x2610] =	vst v63  }
0x7f: {  	_ =	swait.ge [sflag:s0], $0x80  }
0x80: {  	[sflag:s0] =	ssyncset.done $0x0  }
0x81: {  	[sflag:s0] =	ssyncadd.s32 $0xFFFFFF80  }
0x82: {  	v4 =	vld.idx.msk [tilespmem:v1+s14+$0x0], $0xffff;
	_ =	sdelay $0x2  }
0x83: {  	v3 =	vbroadcast v3, $0xF;
	_ =	swait.ge [sflag:s3], $0x100  }
0x84: {  	[sflag:s3] =	ssyncset.done $0x0  }
0x85: {  	s2 =	simm.s32 $0x0;
	p0 =	por $0x1, $0x1;
	v1 =	vbroadcast v2, $0xF;
	[sflag:s3] =	ssyncadd.s32 $0xFFFFFF00;
	v2 =	vmul.f32 v4, v3  }
.LBB2_12:
0x86: {  	v4 =	vld [tilespmem:s2+$0xD10]  }
0x87: {  	v5 =	vld [tilespmem:s2+$0xD20];
	_ =	sdelay $0x2  }
0x88: {  	v6 =	vld [tilespmem:s2+$0xD30]  }
0x89: {  	v7 =	vld [tilespmem:s2+$0xD40];
	v4 =	vmul.f32 v4, v3  }
0x8a: {  	v8 =	vld [tilespmem:s2+$0xD50];
	v5 =	vmul.f32 v5, v3  }
0x8b: {  	v9 =	vld [tilespmem:s2+$0xD60];
	v4 =	vsub.f32 v2, v4  }
0x8c: {  	v10 =	vld [tilespmem:s2+$0xD70];
	v5 =	vsub.f32 v2, v5  }
0x8d: {  	v11 =	vld [tilespmem:s2+$0xD80];
	v6 =	vmul.f32 v6, v3;
	v4 =	vmul.f32 $1.442695020e+00, v4  }
0x8e: {  	v7 =	vmul.f32 v7, v3;
	v5 =	vmul.f32 $1.442695020e+00, v5  }
0x8f: {  	v50 =	vmul.f32 v8, v3;
	(erf) = vpow2.f32 v4;
	v4 =	vsub.f32 v2, v6  }
0x90: {  	v51 =	vmul.f32 v9, v3;
	(erf) = vpow2.f32 v5;
	v5 =	vsub.f32 v2, v7  }
0x91: {  	v52 =	vmul.f32 v10, v3;
	v6 =	vsub.f32 v2, v50;
	v4 =	vmul.f32 $1.442695020e+00, v4  }
0x92: {  	v53 =	vmul.f32 v11, v3;
	v7 =	vsub.f32 v2, v51;
	v5 =	vmul.f32 $1.442695020e+00, v5  }
0x93: {  	v54 =	vsub.f32 v2, v52;
	(erf) = vpow2.f32 v4;
	v4 =	vmul.f32 $1.442695020e+00, v6  }
0x94: {  	v55 =	vsub.f32 v2, v53;
	(erf) = vpow2.f32 v5;
	v5 =	vmul.f32 $1.442695020e+00, v7  }
0x95: {  	(erf) = vpow2.f32 v4;
	v4 =	vmul.f32 $1.442695020e+00, v54  }
0x96: {  	(erf) = vpow2.f32 v5;
	v5 =	vmul.f32 $1.442695020e+00, v55  }
0x97: {  	(erf) = vpow2.f32 v4  }
0x98: {  	(erf) = vpow2.f32 v5;
	_ =	sdelay $0x1  }
0x99: {  	v4 =	vpop (erf)  }
0x9a: {  	v5 =	vpop (erf);
	v4 =	vsub.f32 $1.000000000e+00, v4  }
0x9b: {  	v5 =	vsub.f32 $1.000000000e+00, v5;
	v56 =	vpop (erf)  }
0x9c: {  	v4 =	vmax.f32 v1, v4;
	v57 =	vpop (erf);
	v6 =	vsub.f32 $1.000000000e+00, v56  }
0x9d: {  	[tilespmem:s2+$0x1990] =	vst v4;
	v4 =	vmax.f32 v1, v5;
	v58 =	vpop (erf);
	v5 =	vsub.f32 $1.000000000e+00, v57  }
0x9e: {  	[tilespmem:s2+$0x19A0] =	vst v4;
	v59 =	vpop (erf);
	v4 =	vmax.f32 v1, v6;
	v60 =	vsub.f32 $1.000000000e+00, v58  }
0x9f: {  	p1 =	por p0, p0;
	v61 =	vpop (erf);
	[tilespmem:s2+$0x19B0] =	vst v4;
	v4 =	vmax.f32 v1, v5;
	v5 =	vsub.f32 $1.000000000e+00, v59  }
.Ltmp5:
0xa0: {  	[tilespmem:s2+$0x19C0] =	vst v4;
	v4 =	vmax.f32 v1, v60;
	v62 =	vsub.f32 $1.000000000e+00, v61;
	v63 =	vpop (erf);
	(pc) =	sbr.rel @p1 .LBB2_12-.Ltmp5, $4  }
0xa1: {  	[tilespmem:s2+$0x19D0] =	vst v4;
	v4 =	vmax.f32 v1, v5;
	v5 =	vsub.f32 $1.000000000e+00, v63  }
0xa2: {  	[tilespmem:s2+$0x19E0] =	vst v4;
	v4 =	vmax.f32 v1, v62  }
0xa3: {  	[tilespmem:s2+$0x19F0] =	vst v4;
	v4 =	vmax.f32 v1, v5  }
0xa4: {  	p0 =	por $0x0, $0x0;
	[tilespmem:s2+$0x1A00] =	vst v4;
	s2 =	simm.s32 $0x80  }
0xa5: {  	s2 =	simm.s32 $0x1990  }
0xa6: {  	[hbm4b:s5+s4] =	stream.linear.scatter [tilespmem:s2], [sflag:$0x9], $0x100, $0x38;
	[tilespmem:$0x2610] =	vst v63  }
0xa7: {  	_ =	swait.ge [sflag:s16], $0x300  }
0xa8: {  	[sflag:s16] =	ssyncset.done $0x0  }
0xa9: {  	s20 =	simm.s32 $0xE80;
	[sflag:s16] =	ssyncadd.s32 $0xFFFFFD00  }
0xaa: {  	v4 =	vld [tilespmem:s20+$0x0];
	_ =	sdelay $0x2  }
0xab: {  	v5 =	vld [tilespmem:s20+$0xFFFFFFA0]  }
0xac: {  	v6 =	vld [tilespmem:s20+$0xFFFFFFB0]  }
0xad: {  	v4 =	vmul.f32 v4, v3  }
0xae: {  	v7 =	vld [tilespmem:s20+$0xFFFFFFC0]  }
0xaf: {  	v8 =	vld [tilespmem:s20+$0xFFFFFFD0];
	v4 =	vsub.f32 v2, v4  }
0xb0: {  	v9 =	vld [tilespmem:s20+$0xFFFFFF90];
	v5 =	vmul.f32 v5, v3  }
0xb1: {  	v10 =	vld [tilespmem:s20+$0xFFFFFFE0];
	v6 =	vmul.f32 v6, v3;
	v4 =	vmul.f32 $1.442695020e+00, v4  }
0xb2: {  	v11 =	vld [tilespmem:s20+$0xFFFFFFF0];
	v5 =	vsub.f32 v2, v5  }
0xb3: {  	v6 =	vsub.f32 v2, v6;
	(erf) = vpow2.f32 v4;
	v4 =	vmul.f32 v7, v3  }
0xb4: {  	v5 =	vmul.f32 $1.442695020e+00, v5;
	v7 =	vmul.f32 v8, v3  }
0xb5: {  	s22 =	simm.s32 $0xF00;
	v6 =	vmul.f32 $1.442695020e+00, v6;
	v8 =	vmul.f32 v9, v3;
	v4 =	vsub.f32 v2, v4  }
0xb6: {  	v12 =	vld [tilespmem:s22+$0xFFFFFFE0];
	(erf) = vpow2.f32 v5;
	v5 =	vmul.f32 v10, v3;
	v7 =	vsub.f32 v2, v7  }
0xb7: {  	v9 =	vmul.f32 v11, v3;
	v10 =	vld [tilespmem:s22+$0x0];
	v8 =	vsub.f32 v2, v8;
	v4 =	vmul.f32 $1.442695020e+00, v4  }
0xb8: {  	(erf) = vpow2.f32 v6;
	v6 =	vld [tilespmem:s22+$0xFFFFFFA0];
	v5 =	vsub.f32 v2, v5;
	v7 =	vmul.f32 $1.442695020e+00, v7  }
0xb9: {  	v9 =	vsub.f32 v2, v9;
	v8 =	vmul.f32 $1.442695020e+00, v8;
	(erf) = vpow2.f32 v4;
	v4 =	vld [tilespmem:s22+$0xFFFFFFB0]  }
0xba: {  	v5 =	vmul.f32 $1.442695020e+00, v5;
	(erf) = vpow2.f32 v7;
	v7 =	vld [tilespmem:s22+$0xFFFFFFC0]  }
0xbb: {  	v9 =	vmul.f32 $1.442695020e+00, v9;
	(erf) = vpow2.f32 v8;
	v8 =	vld [tilespmem:s22+$0xFFFFFFD0]  }
0xbc: {  	(erf) = vpow2.f32 v5;
	v5 =	vmul.f32 v10, v3  }
0xbd: {  	v6 =	vmul.f32 v6, v3  }
0xbe: {  	v12 =	vmul.f32 v12, v3;
	v11 =	vpop (erf);
	(erf) = vpow2.f32 v9;
	v9 =	vld [tilespmem:s22+$0xFFFFFFF0];
	v5 =	vsub.f32 v2, v5  }
0xbf: {  	v6 =	vsub.f32 v2, v6;
	v10 =	vsub.f32 $1.000000000e+00, v11;
	v11 =	vld [tilespmem:s22+$0xFFFFFF90];
	v7 =	vmul.f32 v7, v3  }
0xc0: {  	v13 =	vmul.f32 v4, v3;
	v8 =	vmul.f32 v8, v3  }
0xc1: {  	v17 =	vsub.f32 v2, v12;
	v4 =	vpop (erf);
	v16 =	vmul.f32 $1.442695020e+00, v6;
	v14 =	vmul.f32 $1.442695020e+00, v5  }
0xc2: {  	v10 =	vmax.f32 v1, v10;
	v13 =	vsub.f32 v2, v13;
	v5 =	vpop (erf);
	v8 =	vsub.f32 v2, v8  }
0xc3: {  	v15 =	vsub.f32 v2, v7;
	v9 =	vmul.f32 v9, v3;
	(erf) = vpow2.f32 v14;
	v7 =	vpop (erf)  }
0xc4: {  	v4 =	vsub.f32 $1.000000000e+00, v4;
	v11 =	vmul.f32 v11, v3;
	v14 =	vmul.f32 $1.442695020e+00, v13;
	v6 =	vpop (erf)  }
0xc5: {  	v13 =	vmul.f32 $1.442695020e+00, v15;
	(erf) = vpow2.f32 v16;
	v19 =	vsub.f32 v2, v9;
	v18 =	vpop (erf)  }
0xc6: {  	s30 =	simm.s32 $0x1B00;
	v12 =	vmul.f32 $1.442695020e+00, v8;
	v15 =	vsub.f32 v2, v11;
	v11 =	vmul.f32 $1.442695020e+00, v17;
	v8 =	vpop (erf)  }
0xc7: {  	s15 =	simm.s32 $0xF80;
	s31 =	simm.s32 $0x1B00;
	s2 =	simm.s32 $0x18;
	[tilespmem:s30+$0x0] =	vst v10;
	(erf) = vpow2.f32 v14;
	v10 =	vmul.f32 $1.442695020e+00, v19;
	v14 =	vsub.f32 $1.000000000e+00, v18;
	v9 =	vpop (erf)  }
.LBB2_14:
0xc8: {  	v16 =	vld [tilespmem:s15+$0x0];
	s2 =	sadd.s32 $0x8, s2;
	v15 =	vmul.f32 $1.442695020e+00, v15;
	(erf) = vpow2.f32 v13;
	v5 =	vsub.f32 $1.000000000e+00, v5  }
0xc9: {  	v7 =	vsub.f32 $1.000000000e+00, v7;
	v6 =	vsub.f32 $1.000000000e+00, v6;
	v13 =	vld [tilespmem:s15+$0xFFFFFFA0];
	p0 =	slt.u32 s2, $0x38;
	(erf) = vpow2.f32 v12  }
0xca: {  	v8 =	vsub.f32 $1.000000000e+00, v8;
	v9 =	vsub.f32 $1.000000000e+00, v9;
	v12 =	vld [tilespmem:s15+$0xFFFFFFB0];
	(erf) = vpow2.f32 v15  }
0xcb: {  	v4 =	vmax.f32 v1, v4;
	v15 =	vld [tilespmem:s15+$0xFFFFFFC0];
	(erf) = vpow2.f32 v11;
	v11 =	vmax.f32 v1, v14  }
0xcc: {  	v5 =	vmax.f32 v1, v5;
	v7 =	vmax.f32 v1, v7;
	v14 =	vld [tilespmem:s15+$0xFFFFFFD0];
	(erf) = vpow2.f32 v10;
	v10 =	vpop (erf);
	[tilespmem:s30+$0xFFFFFF90] =	vst v11  }
0xcd: {  	v6 =	vmax.f32 v1, v6;
	v11 =	vld [tilespmem:s15+$0xFFFFFFE0];
	v16 =	vmul.f32 v16, v3;
	v18 =	vsub.f32 $1.000000000e+00, v10;
	[tilespmem:s30+$0xFFFFFFA0] =	vst v4  }
0xce: {  	v8 =	vmax.f32 v1, v8;
	v9 =	vmax.f32 v1, v9;
	v4 =	vmul.f32 v13, v3;
	v13 =	vld [tilespmem:s15+$0xFFFFFFF0];
	[tilespmem:s30+$0xFFFFFFB0] =	vst v5  }
0xcf: {  	s30 =	sadd.s32 $0x80, s30;
	v17 =	vld [tilespmem:s15+$0xFFFFFF90];
	v12 =	vmul.f32 v12, v3;
	v16 =	vsub.f32 v2, v16;
	v19 =	vmax.f32 v1, v18;
	v10 =	vpop (erf);
	[tilespmem:s31+$0xFFFFFFC0] =	vst v7  }
0xd0: {  	v18 =	vsub.f32 v2, v4;
	v15 =	vmul.f32 v15, v3;
	v4 =	vsub.f32 $1.000000000e+00, v10;
	[tilespmem:s30+$0x0] =	vst v19;
	v5 =	vpop (erf)  }
0xd1: {  	v10 =	vsub.f32 v2, v12;
	v12 =	vmul.f32 v14, v3;
	v19 =	vmul.f32 $1.442695020e+00, v16;
	v7 =	vpop (erf);
	[tilespmem:s31+$0xFFFFFFD0] =	vst v6  }
0xd2: {  	v16 =	vmul.f32 $1.442695020e+00, v18;
	v15 =	vsub.f32 v2, v15;
	v11 =	vmul.f32 v11, v3;
	v6 =	vpop (erf);
	[tilespmem:s31+$0xFFFFFFE0] =	vst v8  }
.Ltmp6:
0xd3: {  	v12 =	vsub.f32 v2, v12;
	v18 =	vmul.f32 v13, v3;
	(erf) = vpow2.f32 v19;
	v14 =	vpop (erf);
	[tilespmem:s31+$0xFFFFFFF0] =	vst v9;
	s31 =	smov.u32 s30;
	(pc) =	sbr.rel @p0 .LBB2_14-.Ltmp6, $4  }
0xd4: {  	v19 =	vmul.f32 $1.442695020e+00, v10;
	v17 =	vmul.f32 v17, v3;
	v10 =	vsub.f32 v2, v11;
	v8 =	vpop (erf)  }
0xd5: {  	v13 =	vmul.f32 $1.442695020e+00, v15;
	v12 =	vmul.f32 $1.442695020e+00, v12;
	v18 =	vsub.f32 v2, v18;
	v9 =	vpop (erf)  }
0xd6: {  	v15 =	vsub.f32 v2, v17;
	v11 =	vmul.f32 $1.442695020e+00, v10;
	(erf) = vpow2.f32 v16  }
0xd7: {  	s15 =	sadd.s32 $0x80, s15;
	v14 =	vsub.f32 $1.000000000e+00, v14;
	v10 =	vmul.f32 $1.442695020e+00, v18;
	(erf) = vpow2.f32 v19  }
0xd8: {  	v15 =	vmul.f32 $1.442695020e+00, v15;
	(erf) = vpow2.f32 v13  }
0xd9: {  	(erf) = vpow2.f32 v12  }
0xda: {  	(erf) = vpow2.f32 v15;
	_ =	sdelay $0x1  }
0xdb: {  	v5 =	vsub.f32 $1.000000000e+00, v5  }
0xdc: {  	v7 =	vsub.f32 $1.000000000e+00, v7;
	v4 =	vmax.f32 v1, v4;
	(erf) = vpow2.f32 v11;
	v13 =	vpop (erf)  }
0xdd: {  	v5 =	vmax.f32 v1, v5;
	(erf) = vpow2.f32 v10;
	v10 =	vsub.f32 $1.000000000e+00, v13  }
0xde: {  	v7 =	vmax.f32 v1, v7;
	v11 =	vpop (erf)  }
0xdf: {  	[tilespmem:s30+$0xFFFFFFA0] =	vst v4;
	v10 =	vmax.f32 v1, v10;
	v4 =	vpop (erf)  }
0xe0: {  	v6 =	vsub.f32 $1.000000000e+00, v6;
	[tilespmem:s30+$0xFFFFFFB0] =	vst v5;
	v5 =	vpop (erf)  }
0xe1: {  	s2 =	sadd.s32 $0x80, s30;
	[tilespmem:s31+$0xFFFFFFC0] =	vst v7;
	v7 =	vpop (erf)  }
0xe2: {  	v8 =	vsub.f32 $1.000000000e+00, v8;
	v6 =	vmax.f32 v1, v6;
	[tilespmem:s2+$0x0] =	vst v10;
	v10 =	vpop (erf)  }
0xe3: {  	v9 =	vsub.f32 $1.000000000e+00, v9;
	v12 =	vmax.f32 v1, v14;
	[tilespmem:s31+$0xFFFFFFD0] =	vst v6;
	v6 =	vsub.f32 $1.000000000e+00, v10  }
0xe4: {  	[tilespmem:s30+$0xFFFFFF90] =	vst v12;
	v8 =	vmax.f32 v1, v8;
	v4 =	vsub.f32 $1.000000000e+00, v4;
	v10 =	vsub.f32 $1.000000000e+00, v11  }
0xe5: {  	v9 =	vmax.f32 v1, v9;
	[tilespmem:s31+$0xFFFFFFE0] =	vst v8;
	v6 =	vmax.f32 v1, v6  }
0xe6: {  	[tilespmem:s31+$0xFFFFFFF0] =	vst v9;
	v4 =	vmax.f32 v1, v4;
	v8 =	vmax.f32 v1, v10  }
0xe7: {  	v5 =	vsub.f32 $1.000000000e+00, v5;
	[tilespmem:s2+$0xFFFFFFB0] =	vst v4  }
0xe8: {  	v7 =	vsub.f32 $1.000000000e+00, v7;
	[tilespmem:s2+$0xFFFFFF90] =	vst v6;
	v6 =	vpop (erf)  }
0xe9: {  	v5 =	vmax.f32 v1, v5;
	[tilespmem:s2+$0xFFFFFFA0] =	vst v8;
	v8 =	vpop (erf);
	v6 =	vsub.f32 $1.000000000e+00, v6  }
0xea: {  	v7 =	vmax.f32 v1, v7;
	[tilespmem:s2+$0xFFFFFFC0] =	vst v5;
	v4 =	vsub.f32 $1.000000000e+00, v8  }
0xeb: {  	[tilespmem:s2+$0xFFFFFFD0] =	vst v7;
	v5 =	vmax.f32 v1, v6  }
0xec: {  	v4 =	vmax.f32 v1, v4;
	[tilespmem:s2+$0xFFFFFFE0] =	vst v5  }
0xed: {  	s17 =	simm.s32 $0x1A90;
	[tilespmem:s2+$0xFFFFFFF0] =	vst v4  }
0xee: {  	[hbm4b:s7+s4] =	stream.linear.scatter [tilespmem:s17], [sflag:$0x9], $0x300, $0x38;
	[tilespmem:$0x2610] =	vst v63  }
0xef: {  	_ =	swait.ge [sflag:s19], $0x380  }
0xf0: {  	[sflag:s19] =	ssyncset.done $0x0  }
0xf1: {  	s20 =	simm.s32 $0x1180;
	[sflag:s19] =	ssyncadd.s32 $0xFFFFFC80  }
0xf2: {  	v4 =	vld [tilespmem:s20+$0x0];
	_ =	sdelay $0x2  }
0xf3: {  	v5 =	vld [tilespmem:s20+$0xFFFFFFA0]  }
0xf4: {  	v6 =	vld [tilespmem:s20+$0xFFFFFFB0]  }
0xf5: {  	v4 =	vmul.f32 v4, v3  }
0xf6: {  	v7 =	vld [tilespmem:s20+$0xFFFFFFC0]  }
0xf7: {  	v8 =	vld [tilespmem:s20+$0xFFFFFFD0];
	v4 =	vsub.f32 v2, v4  }
0xf8: {  	v9 =	vld [tilespmem:s20+$0xFFFFFF90];
	v5 =	vmul.f32 v5, v3  }
0xf9: {  	v10 =	vld [tilespmem:s20+$0xFFFFFFE0];
	v6 =	vmul.f32 v6, v3;
	v4 =	vmul.f32 $1.442695020e+00, v4  }
0xfa: {  	v11 =	vld [tilespmem:s20+$0xFFFFFFF0];
	v5 =	vsub.f32 v2, v5  }
0xfb: {  	v6 =	vsub.f32 v2, v6;
	(erf) = vpow2.f32 v4;
	v4 =	vmul.f32 v7, v3  }
0xfc: {  	v5 =	vmul.f32 $1.442695020e+00, v5;
	v7 =	vmul.f32 v8, v3  }
0xfd: {  	s22 =	simm.s32 $0x1200;
	v6 =	vmul.f32 $1.442695020e+00, v6;
	v8 =	vmul.f32 v9, v3;
	v4 =	vsub.f32 v2, v4  }
0xfe: {  	v12 =	vld [tilespmem:s22+$0xFFFFFFE0];
	(erf) = vpow2.f32 v5;
	v5 =	vmul.f32 v10, v3;
	v7 =	vsub.f32 v2, v7  }
0xff: {  	v9 =	vmul.f32 v11, v3;
	v10 =	vld [tilespmem:s22+$0x0];
	v8 =	vsub.f32 v2, v8;
	v4 =	vmul.f32 $1.442695020e+00, v4  }
0x100: {  	(erf) = vpow2.f32 v6;
	v6 =	vld [tilespmem:s22+$0xFFFFFFA0];
	v5 =	vsub.f32 v2, v5;
	v7 =	vmul.f32 $1.442695020e+00, v7  }
0x101: {  	v9 =	vsub.f32 v2, v9;
	v8 =	vmul.f32 $1.442695020e+00, v8;
	(erf) = vpow2.f32 v4;
	v4 =	vld [tilespmem:s22+$0xFFFFFFB0]  }
0x102: {  	v5 =	vmul.f32 $1.442695020e+00, v5;
	(erf) = vpow2.f32 v7;
	v7 =	vld [tilespmem:s22+$0xFFFFFFC0]  }
0x103: {  	v9 =	vmul.f32 $1.442695020e+00, v9;
	(erf) = vpow2.f32 v8;
	v8 =	vld [tilespmem:s22+$0xFFFFFFD0]  }
0x104: {  	(erf) = vpow2.f32 v5;
	v5 =	vmul.f32 v10, v3  }
0x105: {  	v6 =	vmul.f32 v6, v3  }
0x106: {  	v12 =	vmul.f32 v12, v3;
	v11 =	vpop (erf);
	(erf) = vpow2.f32 v9;
	v9 =	vld [tilespmem:s22+$0xFFFFFFF0];
	v5 =	vsub.f32 v2, v5  }
0x107: {  	v6 =	vsub.f32 v2, v6;
	v10 =	vsub.f32 $1.000000000e+00, v11;
	v11 =	vld [tilespmem:s22+$0xFFFFFF90];
	v7 =	vmul.f32 v7, v3  }
0x108: {  	v13 =	vmul.f32 v4, v3;
	v8 =	vmul.f32 v8, v3  }
0x109: {  	v17 =	vsub.f32 v2, v12;
	v4 =	vpop (erf);
	v16 =	vmul.f32 $1.442695020e+00, v6;
	v14 =	vmul.f32 $1.442695020e+00, v5  }
0x10a: {  	v10 =	vmax.f32 v1, v10;
	v13 =	vsub.f32 v2, v13;
	v5 =	vpop (erf);
	v8 =	vsub.f32 v2, v8  }
0x10b: {  	v15 =	vsub.f32 v2, v7;
	v9 =	vmul.f32 v9, v3;
	(erf) = vpow2.f32 v14;
	v7 =	vpop (erf)  }
0x10c: {  	v4 =	vsub.f32 $1.000000000e+00, v4;
	v11 =	vmul.f32 v11, v3;
	v14 =	vmul.f32 $1.442695020e+00, v13;
	v6 =	vpop (erf)  }
0x10d: {  	v13 =	vmul.f32 $1.442695020e+00, v15;
	(erf) = vpow2.f32 v16;
	v19 =	vsub.f32 v2, v9;
	v18 =	vpop (erf)  }
0x10e: {  	s30 =	simm.s32 $0x1E00;
	v12 =	vmul.f32 $1.442695020e+00, v8;
	v15 =	vsub.f32 v2, v11;
	v11 =	vmul.f32 $1.442695020e+00, v17;
	v8 =	vpop (erf)  }
0x10f: {  	s15 =	simm.s32 $0x1280;
	s31 =	simm.s32 $0x1E00;
	s2 =	simm.s32 $0x48;
	[tilespmem:s30+$0x0] =	vst v10;
	(erf) = vpow2.f32 v14;
	v10 =	vmul.f32 $1.442695020e+00, v19;
	v14 =	vsub.f32 $1.000000000e+00, v18;
	v9 =	vpop (erf)  }
.LBB2_16:
0x110: {  	v16 =	vld [tilespmem:s15+$0x0];
	s2 =	sadd.s32 $0x8, s2;
	v15 =	vmul.f32 $1.442695020e+00, v15;
	(erf) = vpow2.f32 v13;
	v5 =	vsub.f32 $1.000000000e+00, v5  }
0x111: {  	v7 =	vsub.f32 $1.000000000e+00, v7;
	v6 =	vsub.f32 $1.000000000e+00, v6;
	v13 =	vld [tilespmem:s15+$0xFFFFFFA0];
	p0 =	slt.u32 s2, $0x70;
	(erf) = vpow2.f32 v12  }
0x112: {  	v8 =	vsub.f32 $1.000000000e+00, v8;
	v9 =	vsub.f32 $1.000000000e+00, v9;
	v12 =	vld [tilespmem:s15+$0xFFFFFFB0];
	(erf) = vpow2.f32 v15  }
0x113: {  	v4 =	vmax.f32 v1, v4;
	v15 =	vld [tilespmem:s15+$0xFFFFFFC0];
	(erf) = vpow2.f32 v11;
	v11 =	vmax.f32 v1, v14  }
0x114: {  	v5 =	vmax.f32 v1, v5;
	v7 =	vmax.f32 v1, v7;
	v14 =	vld [tilespmem:s15+$0xFFFFFFD0];
	(erf) = vpow2.f32 v10;
	v10 =	vpop (erf);
	[tilespmem:s30+$0xFFFFFF90] =	vst v11  }
0x115: {  	v6 =	vmax.f32 v1, v6;
	v11 =	vld [tilespmem:s15+$0xFFFFFFE0];
	v16 =	vmul.f32 v16, v3;
	v18 =	vsub.f32 $1.000000000e+00, v10;
	[tilespmem:s30+$0xFFFFFFA0] =	vst v4  }
0x116: {  	v8 =	vmax.f32 v1, v8;
	v9 =	vmax.f32 v1, v9;
	v4 =	vmul.f32 v13, v3;
	v13 =	vld [tilespmem:s15+$0xFFFFFFF0];
	[tilespmem:s30+$0xFFFFFFB0] =	vst v5  }
0x117: {  	s30 =	sadd.s32 $0x80, s30;
	v17 =	vld [tilespmem:s15+$0xFFFFFF90];
	v12 =	vmul.f32 v12, v3;
	v16 =	vsub.f32 v2, v16;
	v19 =	vmax.f32 v1, v18;
	v10 =	vpop (erf);
	[tilespmem:s31+$0xFFFFFFC0] =	vst v7  }
0x118: {  	v18 =	vsub.f32 v2, v4;
	v15 =	vmul.f32 v15, v3;
	v4 =	vsub.f32 $1.000000000e+00, v10;
	[tilespmem:s30+$0x0] =	vst v19;
	v5 =	vpop (erf)  }
0x119: {  	v10 =	vsub.f32 v2, v12;
	v12 =	vmul.f32 v14, v3;
	v19 =	vmul.f32 $1.442695020e+00, v16;
	v7 =	vpop (erf);
	[tilespmem:s31+$0xFFFFFFD0] =	vst v6  }
0x11a: {  	v16 =	vmul.f32 $1.442695020e+00, v18;
	v15 =	vsub.f32 v2, v15;
	v11 =	vmul.f32 v11, v3;
	v6 =	vpop (erf);
	[tilespmem:s31+$0xFFFFFFE0] =	vst v8  }
.Ltmp7:
0x11b: {  	v12 =	vsub.f32 v2, v12;
	v18 =	vmul.f32 v13, v3;
	(erf) = vpow2.f32 v19;
	v14 =	vpop (erf);
	[tilespmem:s31+$0xFFFFFFF0] =	vst v9;
	s31 =	smov.u32 s30;
	(pc) =	sbr.rel @p0 .LBB2_16-.Ltmp7, $4  }
0x11c: {  	v19 =	vmul.f32 $1.442695020e+00, v10;
	v17 =	vmul.f32 v17, v3;
	v10 =	vsub.f32 v2, v11;
	v8 =	vpop (erf)  }
0x11d: {  	v13 =	vmul.f32 $1.442695020e+00, v15;
	v12 =	vmul.f32 $1.442695020e+00, v12;
	v18 =	vsub.f32 v2, v18;
	v9 =	vpop (erf)  }
0x11e: {  	v15 =	vsub.f32 v2, v17;
	v11 =	vmul.f32 $1.442695020e+00, v10;
	(erf) = vpow2.f32 v16  }
0x11f: {  	s15 =	sadd.s32 $0x80, s15;
	v14 =	vsub.f32 $1.000000000e+00, v14;
	v10 =	vmul.f32 $1.442695020e+00, v18;
	(erf) = vpow2.f32 v19  }
0x120: {  	v15 =	vmul.f32 $1.442695020e+00, v15;
	(erf) = vpow2.f32 v13  }
0x121: {  	(erf) = vpow2.f32 v12  }
0x122: {  	(erf) = vpow2.f32 v15;
	_ =	sdelay $0x1  }
0x123: {  	v5 =	vsub.f32 $1.000000000e+00, v5  }
0x124: {  	v7 =	vsub.f32 $1.000000000e+00, v7;
	v4 =	vmax.f32 v1, v4;
	(erf) = vpow2.f32 v11;
	v13 =	vpop (erf)  }
0x125: {  	v5 =	vmax.f32 v1, v5;
	(erf) = vpow2.f32 v10;
	v10 =	vsub.f32 $1.000000000e+00, v13  }
0x126: {  	v7 =	vmax.f32 v1, v7;
	v11 =	vpop (erf)  }
0x127: {  	[tilespmem:s30+$0xFFFFFFA0] =	vst v4;
	v10 =	vmax.f32 v1, v10;
	v4 =	vpop (erf)  }
0x128: {  	v6 =	vsub.f32 $1.000000000e+00, v6;
	[tilespmem:s30+$0xFFFFFFB0] =	vst v5;
	v5 =	vpop (erf)  }
0x129: {  	s2 =	sadd.s32 $0x80, s30;
	[tilespmem:s31+$0xFFFFFFC0] =	vst v7;
	v7 =	vpop (erf)  }
0x12a: {  	v8 =	vsub.f32 $1.000000000e+00, v8;
	v6 =	vmax.f32 v1, v6;
	[tilespmem:s2+$0x0] =	vst v10;
	v10 =	vpop (erf)  }
0x12b: {  	v9 =	vsub.f32 $1.000000000e+00, v9;
	v12 =	vmax.f32 v1, v14;
	[tilespmem:s31+$0xFFFFFFD0] =	vst v6;
	v6 =	vsub.f32 $1.000000000e+00, v10  }
0x12c: {  	[tilespmem:s30+$0xFFFFFF90] =	vst v12;
	v8 =	vmax.f32 v1, v8;
	v4 =	vsub.f32 $1.000000000e+00, v4;
	v10 =	vsub.f32 $1.000000000e+00, v11  }
0x12d: {  	v9 =	vmax.f32 v1, v9;
	[tilespmem:s31+$0xFFFFFFE0] =	vst v8;
	v6 =	vmax.f32 v1, v6  }
0x12e: {  	[tilespmem:s31+$0xFFFFFFF0] =	vst v9;
	v4 =	vmax.f32 v1, v4;
	v8 =	vmax.f32 v1, v10  }
0x12f: {  	v5 =	vsub.f32 $1.000000000e+00, v5;
	[tilespmem:s2+$0xFFFFFFB0] =	vst v4  }
0x130: {  	v7 =	vsub.f32 $1.000000000e+00, v7;
	[tilespmem:s2+$0xFFFFFF90] =	vst v6;
	v6 =	vpop (erf)  }
0x131: {  	v5 =	vmax.f32 v1, v5;
	[tilespmem:s2+$0xFFFFFFA0] =	vst v8;
	v8 =	vpop (erf);
	v6 =	vsub.f32 $1.000000000e+00, v6  }
0x132: {  	v7 =	vmax.f32 v1, v7;
	[tilespmem:s2+$0xFFFFFFC0] =	vst v5;
	v4 =	vsub.f32 $1.000000000e+00, v8  }
0x133: {  	[tilespmem:s2+$0xFFFFFFD0] =	vst v7;
	v5 =	vmax.f32 v1, v6  }
0x134: {  	v4 =	vmax.f32 v1, v4;
	[tilespmem:s2+$0xFFFFFFE0] =	vst v5  }
0x135: {  	s17 =	simm.s32 $0x1D90;
	[tilespmem:s2+$0xFFFFFFF0] =	vst v4  }
0x136: {  	[hbm4b:s8+s4] =	stream.linear.scatter [tilespmem:s17], [sflag:$0x9], $0x380, $0x38;
	[tilespmem:$0x2610] =	vst v63  }
0x137: {  	_ =	swait.ge [sflag:s21], $0x300  }
0x138: {  	[sflag:s21] =	ssyncset.done $0x0  }
0x139: {  	s20 =	simm.s32 $0x1500;
	[sflag:s21] =	ssyncadd.s32 $0xFFFFFD00  }
0x13a: {  	v4 =	vld [tilespmem:s20+$0x0];
	_ =	sdelay $0x2  }
0x13b: {  	v5 =	vld [tilespmem:s20+$0xFFFFFFA0]  }
0x13c: {  	v6 =	vld [tilespmem:s20+$0xFFFFFFB0]  }
0x13d: {  	v4 =	vmul.f32 v4, v3  }
0x13e: {  	v7 =	vld [tilespmem:s20+$0xFFFFFFC0]  }
0x13f: {  	v8 =	vld [tilespmem:s20+$0xFFFFFFD0];
	v4 =	vsub.f32 v2, v4  }
0x140: {  	v9 =	vld [tilespmem:s20+$0xFFFFFF90];
	v5 =	vmul.f32 v5, v3  }
0x141: {  	v10 =	vld [tilespmem:s20+$0xFFFFFFE0];
	v6 =	vmul.f32 v6, v3;
	v4 =	vmul.f32 $1.442695020e+00, v4  }
0x142: {  	v11 =	vld [tilespmem:s20+$0xFFFFFFF0];
	v5 =	vsub.f32 v2, v5  }
0x143: {  	v6 =	vsub.f32 v2, v6;
	(erf) = vpow2.f32 v4;
	v4 =	vmul.f32 v7, v3  }
0x144: {  	v5 =	vmul.f32 $1.442695020e+00, v5;
	v7 =	vmul.f32 v8, v3  }
0x145: {  	s22 =	simm.s32 $0x1580;
	v6 =	vmul.f32 $1.442695020e+00, v6;
	v8 =	vmul.f32 v9, v3;
	v4 =	vsub.f32 v2, v4  }
0x146: {  	v12 =	vld [tilespmem:s22+$0xFFFFFFE0];
	(erf) = vpow2.f32 v5;
	v5 =	vmul.f32 v10, v3;
	v7 =	vsub.f32 v2, v7  }
0x147: {  	v9 =	vmul.f32 v11, v3;
	v10 =	vld [tilespmem:s22+$0x0];
	v8 =	vsub.f32 v2, v8;
	v4 =	vmul.f32 $1.442695020e+00, v4  }
0x148: {  	(erf) = vpow2.f32 v6;
	v6 =	vld [tilespmem:s22+$0xFFFFFFA0];
	v5 =	vsub.f32 v2, v5;
	v7 =	vmul.f32 $1.442695020e+00, v7  }
0x149: {  	v9 =	vsub.f32 v2, v9;
	v8 =	vmul.f32 $1.442695020e+00, v8;
	(erf) = vpow2.f32 v4;
	v4 =	vld [tilespmem:s22+$0xFFFFFFB0]  }
0x14a: {  	v5 =	vmul.f32 $1.442695020e+00, v5;
	(erf) = vpow2.f32 v7;
	v7 =	vld [tilespmem:s22+$0xFFFFFFC0]  }
0x14b: {  	v9 =	vmul.f32 $1.442695020e+00, v9;
	(erf) = vpow2.f32 v8;
	v8 =	vld [tilespmem:s22+$0xFFFFFFD0]  }
0x14c: {  	(erf) = vpow2.f32 v5;
	v5 =	vmul.f32 v10, v3  }
0x14d: {  	v6 =	vmul.f32 v6, v3  }
0x14e: {  	v12 =	vmul.f32 v12, v3;
	v11 =	vpop (erf);
	(erf) = vpow2.f32 v9;
	v9 =	vld [tilespmem:s22+$0xFFFFFFF0];
	v5 =	vsub.f32 v2, v5  }
0x14f: {  	v6 =	vsub.f32 v2, v6;
	v10 =	vsub.f32 $1.000000000e+00, v11;
	v11 =	vld [tilespmem:s22+$0xFFFFFF90];
	v7 =	vmul.f32 v7, v3  }
0x150: {  	v13 =	vmul.f32 v4, v3;
	v8 =	vmul.f32 v8, v3  }
0x151: {  	v17 =	vsub.f32 v2, v12;
	v4 =	vpop (erf);
	v16 =	vmul.f32 $1.442695020e+00, v6;
	v14 =	vmul.f32 $1.442695020e+00, v5  }
0x152: {  	v10 =	vmax.f32 v1, v10;
	v13 =	vsub.f32 v2, v13;
	v5 =	vpop (erf);
	v8 =	vsub.f32 v2, v8  }
0x153: {  	v15 =	vsub.f32 v2, v7;
	v9 =	vmul.f32 v9, v3;
	(erf) = vpow2.f32 v14;
	v7 =	vpop (erf)  }
0x154: {  	v4 =	vsub.f32 $1.000000000e+00, v4;
	v11 =	vmul.f32 v11, v3;
	v14 =	vmul.f32 $1.442695020e+00, v13;
	v6 =	vpop (erf)  }
0x155: {  	v13 =	vmul.f32 $1.442695020e+00, v15;
	(erf) = vpow2.f32 v16;
	v19 =	vsub.f32 v2, v9;
	v18 =	vpop (erf)  }
0x156: {  	s30 =	simm.s32 $0x2180;
	v12 =	vmul.f32 $1.442695020e+00, v8;
	v15 =	vsub.f32 v2, v11;
	v11 =	vmul.f32 $1.442695020e+00, v17;
	v8 =	vpop (erf)  }
0x157: {  	s15 =	simm.s32 $0x1600;
	s31 =	simm.s32 $0x2180;
	s2 =	simm.s32 $0x80;
	[tilespmem:s30+$0x0] =	vst v10;
	(erf) = vpow2.f32 v14;
	v10 =	vmul.f32 $1.442695020e+00, v19;
	v14 =	vsub.f32 $1.000000000e+00, v18;
	v9 =	vpop (erf)  }
.LBB2_18:
0x158: {  	v16 =	vld [tilespmem:s15+$0x0];
	s2 =	sadd.s32 $0x8, s2;
	v15 =	vmul.f32 $1.442695020e+00, v15;
	(erf) = vpow2.f32 v13;
	v5 =	vsub.f32 $1.000000000e+00, v5  }
0x159: {  	v7 =	vsub.f32 $1.000000000e+00, v7;
	v6 =	vsub.f32 $1.000000000e+00, v6;
	v13 =	vld [tilespmem:s15+$0xFFFFFFA0];
	p0 =	slt.u32 s2, $0xA0;
	(erf) = vpow2.f32 v12  }
0x15a: {  	v8 =	vsub.f32 $1.000000000e+00, v8;
	v9 =	vsub.f32 $1.000000000e+00, v9;
	v12 =	vld [tilespmem:s15+$0xFFFFFFB0];
	(erf) = vpow2.f32 v15  }
0x15b: {  	v4 =	vmax.f32 v1, v4;
	v15 =	vld [tilespmem:s15+$0xFFFFFFC0];
	(erf) = vpow2.f32 v11;
	v11 =	vmax.f32 v1, v14  }
0x15c: {  	v5 =	vmax.f32 v1, v5;
	v7 =	vmax.f32 v1, v7;
	v14 =	vld [tilespmem:s15+$0xFFFFFFD0];
	(erf) = vpow2.f32 v10;
	v10 =	vpop (erf);
	[tilespmem:s30+$0xFFFFFF90] =	vst v11  }
0x15d: {  	v6 =	vmax.f32 v1, v6;
	v11 =	vld [tilespmem:s15+$0xFFFFFFE0];
	v16 =	vmul.f32 v16, v3;
	v18 =	vsub.f32 $1.000000000e+00, v10;
	[tilespmem:s30+$0xFFFFFFA0] =	vst v4  }
0x15e: {  	v8 =	vmax.f32 v1, v8;
	v9 =	vmax.f32 v1, v9;
	v4 =	vmul.f32 v13, v3;
	v13 =	vld [tilespmem:s15+$0xFFFFFFF0];
	[tilespmem:s30+$0xFFFFFFB0] =	vst v5  }
0x15f: {  	s30 =	sadd.s32 $0x80, s30;
	v17 =	vld [tilespmem:s15+$0xFFFFFF90];
	v12 =	vmul.f32 v12, v3;
	v16 =	vsub.f32 v2, v16;
	v19 =	vmax.f32 v1, v18;
	v10 =	vpop (erf);
	[tilespmem:s31+$0xFFFFFFC0] =	vst v7  }
0x160: {  	v18 =	vsub.f32 v2, v4;
	v15 =	vmul.f32 v15, v3;
	v4 =	vsub.f32 $1.000000000e+00, v10;
	[tilespmem:s30+$0x0] =	vst v19;
	v5 =	vpop (erf)  }
0x161: {  	v10 =	vsub.f32 v2, v12;
	v12 =	vmul.f32 v14, v3;
	v19 =	vmul.f32 $1.442695020e+00, v16;
	v7 =	vpop (erf);
	[tilespmem:s31+$0xFFFFFFD0] =	vst v6  }
0x162: {  	v16 =	vmul.f32 $1.442695020e+00, v18;
	v15 =	vsub.f32 v2, v15;
	v11 =	vmul.f32 v11, v3;
	v6 =	vpop (erf);
	[tilespmem:s31+$0xFFFFFFE0] =	vst v8  }
.Ltmp8:
0x163: {  	v12 =	vsub.f32 v2, v12;
	v18 =	vmul.f32 v13, v3;
	(erf) = vpow2.f32 v19;
	v14 =	vpop (erf);
	[tilespmem:s31+$0xFFFFFFF0] =	vst v9;
	s31 =	smov.u32 s30;
	(pc) =	sbr.rel @p0 .LBB2_18-.Ltmp8, $4  }
0x164: {  	v19 =	vmul.f32 $1.442695020e+00, v10;
	v17 =	vmul.f32 v17, v3;
	v10 =	vsub.f32 v2, v11;
	v8 =	vpop (erf)  }
0x165: {  	v13 =	vmul.f32 $1.442695020e+00, v15;
	v12 =	vmul.f32 $1.442695020e+00, v12;
	v18 =	vsub.f32 v2, v18;
	v9 =	vpop (erf)  }
0x166: {  	v15 =	vsub.f32 v2, v17;
	v11 =	vmul.f32 $1.442695020e+00, v10;
	(erf) = vpow2.f32 v16  }
0x167: {  	s15 =	sadd.s32 $0x80, s15;
	v14 =	vsub.f32 $1.000000000e+00, v14;
	v10 =	vmul.f32 $1.442695020e+00, v18;
	(erf) = vpow2.f32 v19  }
0x168: {  	v15 =	vmul.f32 $1.442695020e+00, v15;
	(erf) = vpow2.f32 v13  }
0x169: {  	(erf) = vpow2.f32 v12  }
0x16a: {  	(erf) = vpow2.f32 v15;
	_ =	sdelay $0x1  }
0x16b: {  	v5 =	vsub.f32 $1.000000000e+00, v5  }
0x16c: {  	v7 =	vsub.f32 $1.000000000e+00, v7;
	v4 =	vmax.f32 v1, v4;
	(erf) = vpow2.f32 v11;
	v13 =	vpop (erf)  }
0x16d: {  	v5 =	vmax.f32 v1, v5;
	(erf) = vpow2.f32 v10;
	v10 =	vsub.f32 $1.000000000e+00, v13  }
0x16e: {  	v7 =	vmax.f32 v1, v7;
	v11 =	vpop (erf)  }
0x16f: {  	[tilespmem:s30+$0xFFFFFFA0] =	vst v4;
	v10 =	vmax.f32 v1, v10;
	v4 =	vpop (erf)  }
0x170: {  	v6 =	vsub.f32 $1.000000000e+00, v6;
	[tilespmem:s30+$0xFFFFFFB0] =	vst v5;
	v5 =	vpop (erf)  }
0x171: {  	s2 =	sadd.s32 $0x80, s30;
	[tilespmem:s31+$0xFFFFFFC0] =	vst v7;
	v7 =	vpop (erf)  }
0x172: {  	v8 =	vsub.f32 $1.000000000e+00, v8;
	v6 =	vmax.f32 v1, v6;
	[tilespmem:s2+$0x0] =	vst v10;
	v10 =	vpop (erf)  }
0x173: {  	v9 =	vsub.f32 $1.000000000e+00, v9;
	v12 =	vmax.f32 v1, v14;
	[tilespmem:s31+$0xFFFFFFD0] =	vst v6;
	v6 =	vsub.f32 $1.000000000e+00, v10  }
0x174: {  	[tilespmem:s30+$0xFFFFFF90] =	vst v12;
	v8 =	vmax.f32 v1, v8;
	v4 =	vsub.f32 $1.000000000e+00, v4;
	v10 =	vsub.f32 $1.000000000e+00, v11  }
0x175: {  	v9 =	vmax.f32 v1, v9;
	[tilespmem:s31+$0xFFFFFFE0] =	vst v8;
	v6 =	vmax.f32 v1, v6  }
0x176: {  	[tilespmem:s31+$0xFFFFFFF0] =	vst v9;
	v4 =	vmax.f32 v1, v4;
	v8 =	vmax.f32 v1, v10  }
0x177: {  	v5 =	vsub.f32 $1.000000000e+00, v5;
	[tilespmem:s2+$0xFFFFFFB0] =	vst v4  }
0x178: {  	v7 =	vsub.f32 $1.000000000e+00, v7;
	[tilespmem:s2+$0xFFFFFF90] =	vst v6;
	v6 =	vpop (erf)  }
0x179: {  	v5 =	vmax.f32 v1, v5;
	[tilespmem:s2+$0xFFFFFFA0] =	vst v8;
	v8 =	vpop (erf);
	v6 =	vsub.f32 $1.000000000e+00, v6  }
0x17a: {  	v7 =	vmax.f32 v1, v7;
	[tilespmem:s2+$0xFFFFFFC0] =	vst v5;
	v4 =	vsub.f32 $1.000000000e+00, v8  }
0x17b: {  	[tilespmem:s2+$0xFFFFFFD0] =	vst v7;
	v5 =	vmax.f32 v1, v6  }
0x17c: {  	v4 =	vmax.f32 v1, v4;
	[tilespmem:s2+$0xFFFFFFE0] =	vst v5  }
0x17d: {  	s17 =	simm.s32 $0x2110;
	[tilespmem:s2+$0xFFFFFFF0] =	vst v4  }
0x17e: {  	[hbm4b:s9+s4] =	stream.linear.scatter [tilespmem:s17], [sflag:$0x9], $0x300, $0x38;
	[tilespmem:$0x2610] =	vst v63  }
0x17f: {  	_ =	swait.ge [sflag:s23], $0x180  }
0x180: {  	[sflag:s23] =	ssyncset.done $0x0  }
0x181: {  	s20 =	simm.s32 $0x1800;
	[sflag:s23] =	ssyncadd.s32 $0xFFFFFE80  }
0x182: {  	v4 =	vld [tilespmem:s20+$0x0];
	_ =	sdelay $0x2  }
0x183: {  	v5 =	vld [tilespmem:s20+$0xFFFFFFA0]  }
0x184: {  	v6 =	vld [tilespmem:s20+$0xFFFFFFB0]  }
0x185: {  	v4 =	vmul.f32 v4, v3  }
0x186: {  	v7 =	vld [tilespmem:s20+$0xFFFFFFC0]  }
0x187: {  	v8 =	vld [tilespmem:s20+$0xFFFFFFD0];
	v4 =	vsub.f32 v2, v4  }
0x188: {  	v9 =	vld [tilespmem:s20+$0xFFFFFF90];
	v5 =	vmul.f32 v5, v3  }
0x189: {  	v10 =	vld [tilespmem:s20+$0xFFFFFFE0];
	v6 =	vmul.f32 v6, v3;
	v4 =	vmul.f32 $1.442695020e+00, v4  }
0x18a: {  	v11 =	vld [tilespmem:s20+$0xFFFFFFF0];
	v5 =	vsub.f32 v2, v5  }
0x18b: {  	v6 =	vsub.f32 v2, v6;
	(erf) = vpow2.f32 v4;
	v4 =	vmul.f32 v7, v3  }
0x18c: {  	v5 =	vmul.f32 $1.442695020e+00, v5;
	v7 =	vmul.f32 v8, v3  }
0x18d: {  	s22 =	simm.s32 $0x1880;
	v6 =	vmul.f32 $1.442695020e+00, v6;
	v8 =	vmul.f32 v9, v3;
	v4 =	vsub.f32 v2, v4  }
0x18e: {  	v12 =	vld [tilespmem:s22+$0xFFFFFFE0];
	(erf) = vpow2.f32 v5;
	v5 =	vmul.f32 v10, v3;
	v7 =	vsub.f32 v2, v7  }
0x18f: {  	v9 =	vmul.f32 v11, v3;
	v10 =	vld [tilespmem:s22+$0x0];
	v8 =	vsub.f32 v2, v8;
	v4 =	vmul.f32 $1.442695020e+00, v4  }
0x190: {  	(erf) = vpow2.f32 v6;
	v6 =	vld [tilespmem:s22+$0xFFFFFFA0];
	v5 =	vsub.f32 v2, v5;
	v7 =	vmul.f32 $1.442695020e+00, v7  }
0x191: {  	v9 =	vsub.f32 v2, v9;
	v8 =	vmul.f32 $1.442695020e+00, v8;
	(erf) = vpow2.f32 v4;
	v4 =	vld [tilespmem:s22+$0xFFFFFFB0]  }
0x192: {  	v5 =	vmul.f32 $1.442695020e+00, v5;
	(erf) = vpow2.f32 v7;
	v7 =	vld [tilespmem:s22+$0xFFFFFFC0]  }
0x193: {  	v9 =	vmul.f32 $1.442695020e+00, v9;
	(erf) = vpow2.f32 v8;
	v8 =	vld [tilespmem:s22+$0xFFFFFFD0]  }
0x194: {  	(erf) = vpow2.f32 v5;
	v5 =	vmul.f32 v10, v3  }
0x195: {  	v6 =	vmul.f32 v6, v3  }
0x196: {  	v12 =	vmul.f32 v12, v3;
	v11 =	vpop (erf);
	(erf) = vpow2.f32 v9;
	v9 =	vld [tilespmem:s22+$0xFFFFFFF0];
	v5 =	vsub.f32 v2, v5  }
0x197: {  	v6 =	vsub.f32 v2, v6;
	v10 =	vsub.f32 $1.000000000e+00, v11;
	v11 =	vld [tilespmem:s22+$0xFFFFFF90];
	v7 =	vmul.f32 v7, v3  }
0x198: {  	v13 =	vmul.f32 v4, v3;
	v8 =	vmul.f32 v8, v3  }
0x199: {  	v17 =	vsub.f32 v2, v12;
	v4 =	vpop (erf);
	v16 =	vmul.f32 $1.442695020e+00, v6;
	v14 =	vmul.f32 $1.442695020e+00, v5  }
0x19a: {  	v10 =	vmax.f32 v1, v10;
	v13 =	vsub.f32 v2, v13;
	v5 =	vpop (erf);
	v8 =	vsub.f32 v2, v8  }
0x19b: {  	v15 =	vsub.f32 v2, v7;
	v9 =	vmul.f32 v9, v3;
	(erf) = vpow2.f32 v14;
	v7 =	vpop (erf)  }
0x19c: {  	v4 =	vsub.f32 $1.000000000e+00, v4;
	v11 =	vmul.f32 v11, v3;
	v14 =	vmul.f32 $1.442695020e+00, v13;
	v6 =	vpop (erf)  }
0x19d: {  	v13 =	vmul.f32 $1.442695020e+00, v15;
	(erf) = vpow2.f32 v16;
	v19 =	vsub.f32 v2, v9;
	v18 =	vpop (erf)  }
0x19e: {  	s30 =	simm.s32 $0x2480;
	v12 =	vmul.f32 $1.442695020e+00, v8;
	v15 =	vsub.f32 v2, v11;
	v11 =	vmul.f32 $1.442695020e+00, v17;
	v8 =	vpop (erf)  }
0x19f: {  	s15 =	simm.s32 $0x1900;
	s31 =	simm.s32 $0x2480;
	s2 =	simm.s32 $0xB0;
	[tilespmem:s30+$0x0] =	vst v10;
	(erf) = vpow2.f32 v14;
	v10 =	vmul.f32 $1.442695020e+00, v19;
	v14 =	vsub.f32 $1.000000000e+00, v18;
	v9 =	vpop (erf)  }
.LBB2_20:
0x1a0: {  	v16 =	vld [tilespmem:s15+$0x0];
	s2 =	sadd.s32 $0x8, s2;
	v15 =	vmul.f32 $1.442695020e+00, v15;
	(erf) = vpow2.f32 v13;
	v5 =	vsub.f32 $1.000000000e+00, v5  }
0x1a1: {  	v7 =	vsub.f32 $1.000000000e+00, v7;
	v6 =	vsub.f32 $1.000000000e+00, v6;
	v13 =	vld [tilespmem:s15+$0xFFFFFFA0];
	p0 =	slt.u32 s2, $0xB8;
	(erf) = vpow2.f32 v12  }
0x1a2: {  	v8 =	vsub.f32 $1.000000000e+00, v8;
	v9 =	vsub.f32 $1.000000000e+00, v9;
	v12 =	vld [tilespmem:s15+$0xFFFFFFB0];
	(erf) = vpow2.f32 v15  }
0x1a3: {  	v4 =	vmax.f32 v1, v4;
	v15 =	vld [tilespmem:s15+$0xFFFFFFC0];
	(erf) = vpow2.f32 v11;
	v11 =	vmax.f32 v1, v14  }
0x1a4: {  	v5 =	vmax.f32 v1, v5;
	v7 =	vmax.f32 v1, v7;
	v14 =	vld [tilespmem:s15+$0xFFFFFFD0];
	(erf) = vpow2.f32 v10;
	v10 =	vpop (erf);
	[tilespmem:s30+$0xFFFFFF90] =	vst v11  }
0x1a5: {  	v6 =	vmax.f32 v1, v6;
	v11 =	vld [tilespmem:s15+$0xFFFFFFE0];
	v16 =	vmul.f32 v16, v3;
	v18 =	vsub.f32 $1.000000000e+00, v10;
	[tilespmem:s30+$0xFFFFFFA0] =	vst v4  }
0x1a6: {  	v8 =	vmax.f32 v1, v8;
	v9 =	vmax.f32 v1, v9;
	v4 =	vmul.f32 v13, v3;
	v13 =	vld [tilespmem:s15+$0xFFFFFFF0];
	[tilespmem:s30+$0xFFFFFFB0] =	vst v5  }
0x1a7: {  	s30 =	sadd.s32 $0x80, s30;
	v17 =	vld [tilespmem:s15+$0xFFFFFF90];
	v12 =	vmul.f32 v12, v3;
	v16 =	vsub.f32 v2, v16;
	v19 =	vmax.f32 v1, v18;
	v10 =	vpop (erf);
	[tilespmem:s31+$0xFFFFFFC0] =	vst v7  }
0x1a8: {  	v18 =	vsub.f32 v2, v4;
	v15 =	vmul.f32 v15, v3;
	v4 =	vsub.f32 $1.000000000e+00, v10;
	[tilespmem:s30+$0x0] =	vst v19;
	v5 =	vpop (erf)  }
0x1a9: {  	v10 =	vsub.f32 v2, v12;
	v12 =	vmul.f32 v14, v3;
	v19 =	vmul.f32 $1.442695020e+00, v16;
	v7 =	vpop (erf);
	[tilespmem:s31+$0xFFFFFFD0] =	vst v6  }
0x1aa: {  	v16 =	vmul.f32 $1.442695020e+00, v18;
	v15 =	vsub.f32 v2, v15;
	v11 =	vmul.f32 v11, v3;
	v6 =	vpop (erf);
	[tilespmem:s31+$0xFFFFFFE0] =	vst v8  }
.Ltmp9:
0x1ab: {  	v12 =	vsub.f32 v2, v12;
	v18 =	vmul.f32 v13, v3;
	(erf) = vpow2.f32 v19;
	v14 =	vpop (erf);
	[tilespmem:s31+$0xFFFFFFF0] =	vst v9;
	s31 =	smov.u32 s30;
	(pc) =	sbr.rel @p0 .LBB2_20-.Ltmp9, $4  }
0x1ac: {  	v19 =	vmul.f32 $1.442695020e+00, v10;
	v17 =	vmul.f32 v17, v3;
	v10 =	vsub.f32 v2, v11;
	v8 =	vpop (erf)  }
0x1ad: {  	v13 =	vmul.f32 $1.442695020e+00, v15;
	v12 =	vmul.f32 $1.442695020e+00, v12;
	v18 =	vsub.f32 v2, v18;
	v9 =	vpop (erf)  }
0x1ae: {  	v15 =	vsub.f32 v2, v17;
	v11 =	vmul.f32 $1.442695020e+00, v10;
	(erf) = vpow2.f32 v16  }
0x1af: {  	s15 =	sadd.s32 $0x80, s15;
	v14 =	vsub.f32 $1.000000000e+00, v14;
	v10 =	vmul.f32 $1.442695020e+00, v18;
	(erf) = vpow2.f32 v19  }
0x1b0: {  	v15 =	vmul.f32 $1.442695020e+00, v15;
	(erf) = vpow2.f32 v13  }
0x1b1: {  	(erf) = vpow2.f32 v12  }
0x1b2: {  	(erf) = vpow2.f32 v15  }
0x1b3: {  	v5 =	vsub.f32 $1.000000000e+00, v5;
	v4 =	vmax.f32 v1, v4;
	(erf) = vpow2.f32 v11  }
0x1b4: {  	v7 =	vsub.f32 $1.000000000e+00, v7;
	v25 =	vmax.f32 v1, v14;
	[tilespmem:s30+$0xFFFFFFA0] =	vst v4;
	(erf) = vpow2.f32 v10  }
0x1b5: {  	v6 =	vsub.f32 $1.000000000e+00, v6;
	[tilespmem:s30+$0xFFFFFF90] =	vst v25;
	v5 =	vmax.f32 v1, v5  }
0x1b6: {  	v8 =	vsub.f32 $1.000000000e+00, v8;
	v7 =	vmax.f32 v1, v7;
	[tilespmem:s30+$0xFFFFFFB0] =	vst v5;
	v26 =	vpop (erf)  }
0x1b7: {  	v9 =	vsub.f32 $1.000000000e+00, v9;
	v6 =	vmax.f32 v1, v6;
	[tilespmem:s31+$0xFFFFFFC0] =	vst v7;
	v27 =	vpop (erf)  }
0x1b8: {  	v8 =	vmax.f32 v1, v8;
	[tilespmem:s31+$0xFFFFFFD0] =	vst v6;
	v28 =	vsub.f32 $1.000000000e+00, v26;
	v29 =	vpop (erf)  }
0x1b9: {  	v9 =	vmax.f32 v1, v9;
	[tilespmem:s31+$0xFFFFFFE0] =	vst v8;
	v34 =	vsub.f32 $1.000000000e+00, v27;
	v30 =	vpop (erf)  }
0x1ba: {  	s2 =	sadd.s32 $0x80, s30;
	[tilespmem:s31+$0xFFFFFFF0] =	vst v9;
	v10 =	vmax.f32 v1, v28;
	v4 =	vsub.f32 $1.000000000e+00, v29;
	v31 =	vpop (erf)  }
0x1bb: {  	[tilespmem:s2+$0x0] =	vst v10;
	v5 =	vsub.f32 $1.000000000e+00, v30;
	v35 =	vmax.f32 v1, v34;
	v32 =	vpop (erf)  }
0x1bc: {  	v4 =	vmax.f32 v1, v4;
	[tilespmem:s2+$0xFFFFFFA0] =	vst v35;
	v33 =	vsub.f32 $1.000000000e+00, v32;
	v36 =	vpop (erf)  }
0x1bd: {  	v7 =	vsub.f32 $1.000000000e+00, v31;
	v5 =	vmax.f32 v1, v5;
	[tilespmem:s2+$0xFFFFFFB0] =	vst v4;
	v37 =	vpop (erf)  }
0x1be: {  	[tilespmem:s2+$0xFFFFFFC0] =	vst v5;
	v6 =	vmax.f32 v1, v33;
	v38 =	vsub.f32 $1.000000000e+00, v37  }
0x1bf: {  	v7 =	vmax.f32 v1, v7;
	[tilespmem:s2+$0xFFFFFF90] =	vst v6;
	v6 =	vsub.f32 $1.000000000e+00, v36  }
0x1c0: {  	[tilespmem:s2+$0xFFFFFFD0] =	vst v7;
	v4 =	vmax.f32 v1, v38  }
0x1c1: {  	v39 =	vmax.f32 v1, v6;
	[tilespmem:s2+$0xFFFFFFF0] =	vst v4  }
0x1c2: {  	[tilespmem:s2+$0xFFFFFFE0] =	vst v39  }
0x1c3: {  	[hbm4b:s10+s4] =	stream.linear.scatter [tilespmem:s24], [sflag:$0x9], $0x180, $0x38;
	[tilespmem:$0x2610] =	vst v63  }
0x1c4: {  	_ =	swait.ge [sflag:s25], $0x80  }
0x1c5: {  	[sflag:s25] =	ssyncset.done $0x0  }
0x1c6: {  	[sflag:s25] =	ssyncadd.s32 $0xFFFFFF80  }
0x1c7: {  	v40 =	vld [tilespmem:$0x1910]  }
0x1c8: {  	v41 =	vld [tilespmem:$0x1920]  }
0x1c9: {  	v42 =	vld [tilespmem:$0x1930]  }
0x1ca: {  	v43 =	vld [tilespmem:$0x1940]  }
0x1cb: {  	v44 =	vld [tilespmem:$0x1950]  }
0x1cc: {  	v45 =	vld [tilespmem:$0x1960]  }
0x1cd: {  	v46 =	vld [tilespmem:$0x1970]  }
0x1ce: {  	v47 =	vld [tilespmem:$0x1980];
	v4 =	vmul.f32 v40, v3  }
0x1cf: {  	v5 =	vmul.f32 v41, v3  }
0x1d0: {  	v6 =	vmul.f32 v42, v3;
	v7 =	vmul.f32 v43, v3;
	v4 =	vsub.f32 v2, v4  }
0x1d1: {  	v49 =	vmul.f32 v44, v3;
	v51 =	vmul.f32 v45, v3;
	v5 =	vsub.f32 v2, v5  }
0x1d2: {  	v52 =	vmul.f32 v46, v3;
	v48 =	vsub.f32 v2, v6;
	v4 =	vmul.f32 $1.442695020e+00, v4  }
0x1d3: {  	v3 =	vmul.f32 v47, v3;
	v50 =	vsub.f32 v2, v7;
	v5 =	vmul.f32 $1.442695020e+00, v5  }
0x1d4: {  	v6 =	vsub.f32 v2, v49;
	(erf) = vpow2.f32 v4;
	v4 =	vmul.f32 $1.442695020e+00, v48  }
0x1d5: {  	v7 =	vsub.f32 v2, v51;
	(erf) = vpow2.f32 v5;
	v5 =	vmul.f32 $1.442695020e+00, v50  }
0x1d6: {  	v54 =	vsub.f32 v2, v52;
	v53 =	vmul.f32 $1.442695020e+00, v6;
	(erf) = vpow2.f32 v4  }
0x1d7: {  	v2 =	vsub.f32 v2, v3;
	v55 =	vmul.f32 $1.442695020e+00, v7;
	(erf) = vpow2.f32 v5  }
0x1d8: {  	v3 =	vmul.f32 $1.442695020e+00, v54;
	(erf) = vpow2.f32 v53  }
0x1d9: {  	v2 =	vmul.f32 $1.442695020e+00, v2;
	(erf) = vpow2.f32 v55  }
0x1da: {  	(erf) = vpow2.f32 v3  }
0x1db: {  	(erf) = vpow2.f32 v2;
	_ =	sdelay $0x1  }
0x1dc: {  	v2 =	vpop (erf)  }
0x1dd: {  	v2 =	vsub.f32 $1.000000000e+00, v2;
	v3 =	vpop (erf)  }
0x1de: {  	v3 =	vsub.f32 $1.000000000e+00, v3;
	v56 =	vpop (erf)  }
0x1df: {  	v2 =	vmax.f32 v1, v2;
	v4 =	vsub.f32 $1.000000000e+00, v56;
	v57 =	vpop (erf)  }
0x1e0: {  	[tilespmem:$0x2590] =	vst v2;
	v2 =	vmax.f32 v1, v3;
	v3 =	vsub.f32 $1.000000000e+00, v57;
	v58 =	vpop (erf)  }
0x1e1: {  	[tilespmem:$0x25A0] =	vst v2;
	v2 =	vmax.f32 v1, v4;
	v59 =	vsub.f32 $1.000000000e+00, v58;
	v60 =	vpop (erf)  }
0x1e2: {  	[tilespmem:$0x25B0] =	vst v2;
	v2 =	vmax.f32 v1, v3;
	v3 =	vsub.f32 $1.000000000e+00, v60;
	v61 =	vpop (erf)  }
0x1e3: {  	[tilespmem:$0x25C0] =	vst v2;
	v2 =	vmax.f32 v1, v59;
	v62 =	vsub.f32 $1.000000000e+00, v61;
	v63 =	vpop (erf)  }
0x1e4: {  	[tilespmem:$0x25D0] =	vst v2;
	v2 =	vmax.f32 v1, v3;
	v3 =	vsub.f32 $1.000000000e+00, v63  }
0x1e5: {  	[tilespmem:$0x25E0] =	vst v2;
	v2 =	vmax.f32 v1, v62  }
0x1e6: {  	[tilespmem:$0x25F0] =	vst v2;
	v1 =	vmax.f32 v1, v3  }
0x1e7: {  	[tilespmem:$0x2600] =	vst v1  }
0x1e8: {  	[hbm4b:s11+s4] =	stream.linear.scatter [tilespmem:s26], [sflag:$0x9], $0x80, $0x38;
	[tilespmem:$0x2610] =	vst v63  }
0x1e9: {  	_ =	swait.ge [sflag:s28], $0x100  }
0x1ea: {  	[sflag:s28] =	ssyncset.done $0x0  }
0x1eb: {  	[sflag:s28] =	ssyncadd.s32 $0xFFFFFF00  }
0x1ec: {  	_ =	swait.ge [sflag:s28], $0x300  }
0x1ed: {  	[sflag:s28] =	ssyncset.done $0x0  }
0x1ee: {  	[sflag:s28] =	ssyncadd.s32 $0xFFFFFD00  }
0x1ef: {  	_ =	swait.ge [sflag:s28], $0x380  }
0x1f0: {  	[sflag:s28] =	ssyncset.done $0x0  }
0x1f1: {  	[sflag:s28] =	ssyncadd.s32 $0xFFFFFC80  }
0x1f2: {  	_ =	swait.ge [sflag:s28], $0x300  }
0x1f3: {  	[sflag:s28] =	ssyncset.done $0x0  }
0x1f4: {  	s29 =	sadd.s32 $0x1, s29;
	[sflag:s28] =	ssyncadd.s32 $0xFFFFFD00  }
0x1f5: {  	p0 =	sne.s32 s29, s12;
	_ =	swait.ge [sflag:s28], $0x180  }
.Ltmp10:
0x1f6: {  	[sflag:s28] =	ssyncset.done $0x0;
	(pc) =	sbr.rel @p0 .LBB2_1-.Ltmp10, $4  }
0x1f7: {  	[sflag:s28] =	ssyncadd.s32 $0xFFFFFE80  }
0x1f8: {  	_ =	swait.ge [sflag:s28], $0x80  }
0x1f9: {  	[sflag:s28] =	ssyncset.done $0x0  }
0x1fa: {  	[sflag:s28] =	ssyncadd.s32 $0xFFFFFF80  }
0x1fb: {  	_ =	sfence.sel $0x180000  }
0x1fc: {  	[bflag:$0x0] =	sbarrier.arrive $0xFFFF  }
0x1fd: {  	_ =	strace $0x90000047  }
0x1fe: {  	s0 =	stileid.u32;
	[bflag:$0x2] =	sbarrier.arrive $0xFFFF  }
0x1ff: {  	p0 =	sne.s32 s0, $0x0;
	s0 =	rddreg [dreg:$0x4]  }
0x200: {  	s0 =	sadd.s32 @!p0 $0x100000, s0  }
0x201: {  	[sflag:s0] =	ssyncadd.tile.s32 @!p0 $0x1;
	_ =	shalt  }
.Lfunc_end2:
_tile_overlayer_lowered:
.L_overlay_start_2:
0x202: {  	(tag) =	ssettag $0x2  }
0x203: {  	s0 =	rddreg [dreg:$0x0];
	s2 =	stileid.u32  }
0x204: {  	s1 =	rddreg [dreg:$0x1];
	p0 =	sne.s32 s2, $0x0  }
0x205: {  	s3 =	rddreg [dreg:$0x2];
	[bflag:$0x3] =	sbarrier.arrive $0xFFFF;
	s2 =	simm.s32 @!p0 $0x1C0A  }
0x206: {  	[timem:s3], [sflag:s2] =	dma.local @!p0 [hbm:s0], s1  }
0x207: {  	s0 =	simm.s32 @!p0 $0xA  }
0x208: {  	_ =	swait.ge @!p0 [sflag:s0], s1  }
0x209: {  	s1 =	ssub.s32 @!p0 $0x0, s1;
	[sflag:s0] =	ssyncset.done @!p0 $0x0  }
0x20a: {  	[sflag:s0] =	ssyncadd.s32 @!p0 s1  }
0x20b: {  	[bflag:$0x3] =	sbarrier.arrive $0xFFFF  }
0x20c: {  	_ =	shalt  }

</sc_bundles>
